<compile_context>
chip_gen: v7x
topology: tpu7x:2x2x1
jax: 0.10.2.dev20260603
libtpu: 0.0.44.dev20260713+nightly
codegen_flags: <defaults>
</compile_context>

<pallas_src>
import functools

import jax
import jax.numpy as jnp
from jax import lax
from jax.experimental import pallas as pl
from jax.experimental.pallas import tpu as pltpu
from jax.experimental.pallas import tpu_sc as plsc

N = 10000
C = 128
NC = 2
NS = 16
NW = NC * NS
NP = 10112
ROWS_PER_TILE = NP // NS
K = 128
E = 320000
NCH0 = 104
NCH1 = 54
MAXC = max(NCH0, NCH1)
EPAD = NS * (NCH0 + NCH1) * K

_mesh = plsc.VectorSubcoreMesh(
    core_axis_name="c", subcore_axis_name="s", num_cores=NC, num_subcores=NS)


@functools.partial(
    pl.kernel,
    mesh=_mesh,
    compiler_params=pltpu.CompilerParams(use_tc_tiling_on_sc=False),
    out_type=jax.ShapeDtypeStruct((NC, NP, C), jnp.float32),
    scratch_types=[
        pltpu.VMEM((2, K), jnp.int32),
        pltpu.VMEM((2, K), jnp.int32),
        pltpu.VMEM((2, K, C), jnp.float32),
        pltpu.VMEM_SHARED((NP, C), jnp.float32),
        pltpu.SemaphoreType.DMA,
        pltpu.SemaphoreType.DMA,
    ],
)
def _mp_sum_sc(xt_hbm, zeros_hbm, src_hbm, dst_hbm, out_hbm,
               src_v, dst_v, rows_v, acc_s, sem, semi):
    cid = lax.axis_index("c")
    sid = lax.axis_index("s")
    w = cid * NS + sid
    base = sid * ROWS_PER_TILE
    nch = lax.select(cid == 0, NCH0, NCH1)

    @pl.when(cid == 0)
    def _():
        pltpu.sync_copy(xt_hbm.at[pl.ds(base, ROWS_PER_TILE)],
                        acc_s.at[pl.ds(base, ROWS_PER_TILE)])

    @pl.when(cid != 0)
    def _():
        pltpu.sync_copy(zeros_hbm.at[pl.ds(base, ROWS_PER_TILE)],
                        acc_s.at[pl.ds(base, ROWS_PER_TILE)])

    plsc.subcore_barrier()

    pltpu.sync_copy(src_hbm.at[w, 0], src_v.at[0])
    pltpu.sync_copy(dst_hbm.at[w, 0], dst_v.at[0])
    pltpu.async_copy(xt_hbm.at[src_v.at[0]], rows_v.at[0], sem)
    pltpu.async_copy(src_hbm.at[w, 1], src_v.at[1], semi)
    pltpu.async_copy(dst_hbm.at[w, 1], dst_v.at[1], semi)

    def body(j2, carry):
        for b in (0, 1):
            j = 2 * j2 + b
            pltpu.make_async_copy(xt_hbm.at[src_v.at[b]],
                                  rows_v.at[b], sem).wait()

            @pl.when(j + 1 < nch)
            def _():
                pltpu.make_async_copy(src_hbm.at[w, j + 1],
                                      src_v.at[1 - b], semi).wait()
                pltpu.make_async_copy(dst_hbm.at[w, j + 1],
                                      dst_v.at[1 - b], semi).wait()
                pltpu.async_copy(xt_hbm.at[src_v.at[1 - b]],
                                 rows_v.at[1 - b], sem)

            pltpu.sync_copy(rows_v.at[b], acc_s.at[dst_v.at[b]], add=True)

            @pl.when(j + 2 < nch)
            def _():
                pltpu.async_copy(src_hbm.at[w, j + 2], src_v.at[b], semi)
                pltpu.async_copy(dst_hbm.at[w, j + 2], dst_v.at[b], semi)

        return carry

    lax.fori_loop(0, nch // 2, body, 0)

    plsc.subcore_barrier()

    pltpu.sync_copy(acc_s.at[pl.ds(base, ROWS_PER_TILE)],
                    out_hbm.at[cid, pl.ds(base, ROWS_PER_TILE)])


def _pack_idx(flat):
    n0 = NS * NCH0 * K
    e0 = flat[:n0].reshape(NS, NCH0, K)
    e0 = jnp.pad(e0, ((0, 0), (0, MAXC - NCH0), (0, 0)), constant_values=N)
    e1 = flat[n0:].reshape(NS, NCH1, K)
    e1 = jnp.pad(e1, ((0, 0), (0, MAXC - NCH1), (0, 0)), constant_values=N)
    return jnp.concatenate([e0, e1], axis=0)


def kernel(x, edge_index):
    xt = jnp.transpose(x.reshape(C, N))
    xt = jnp.pad(xt, ((0, NP - N), (0, 0)))
    zeros = jnp.zeros((NP, C), jnp.float32)

    src = edge_index[0].astype(jnp.int32)
    dst = edge_index[1].astype(jnp.int32)
    pad = jnp.full((EPAD - E,), N, jnp.int32)
    src = _pack_idx(jnp.concatenate([src, pad]))
    dst = _pack_idx(jnp.concatenate([dst, pad]))

    partial_tables = _mp_sum_sc(xt, zeros, src, dst)
    out = partial_tables[0, :N] + partial_tables[1, :N]
    return jnp.transpose(out).reshape(1, C, N, 1)

# --- scband reference (transcript-rebuilt; emitter-appended) ---
"""Pipeline reference for scband-message-passing-layer-78039555768697 (READ-ONLY COPY).

The authoritative reference and input builder live on the scoring server;
editing this copy changes nothing except your own understanding.
"""

import jax, jax.numpy as jnp
import numpy as np


def setup_inputs(seed: int = 0) -> dict:
    key = jax.random.key(seed)
    k1, k2 = jax.random.split(key)
    x = jax.random.normal(k1, (1, 128, 10000, 1), dtype=jnp.float32)
    edge_index = jax.random.randint(k2, (2, 320000), 0, 10000, dtype=jnp.int64)
    return {"x": x, "edge_index": edge_index}


def reference(x, edge_index):
    # use_mp == 'mp_sum': out[i] = x[i] + sum_{(j->i) in E} x[j]
    # x: [B, C, N, 1] -> permute to [B, N, 1, C], message-pass along node axis, permute back.
    xp = jnp.transpose(x, (0, 2, 3, 1))  # [B, N, 1, C]
    src = edge_index[0]
    dst = edge_index[1]
    msgs = jnp.take(xp, src, axis=1)  # [B, E, 1, C] gather of source node features
    agg = jnp.zeros_like(xp).at[:, dst].add(msgs)  # scatter-add into destination nodes
    out = xp + agg  # mp_sum includes self term
    return jnp.transpose(out, (0, 3, 1, 2))  # back to [B, C, N, 1]

if __name__ == "__main__":
    import jax
    _d = setup_inputs()
    print(jax.jit(kernel)(*tuple(_d.values())))

</pallas_src>

<mosaic_0001>
#map = affine_map<(d0, d1) -> (0, 0)>
#map1 = affine_map<(d0, d1) -> (0, 0, 0)>
module attributes {stable_mosaic.version = 14 : i64} {
  func.func @_mp_sum_sc(%arg0: i32, %arg1: i32, %arg2: memref<10112x128xf32, #tpu.memory_space<hbm>>, %arg3: memref<10112x128xf32, #tpu.memory_space<hbm>>, %arg4: memref<32x104x128xi32, #tpu.memory_space<hbm>>, %arg5: memref<32x104x128xi32, #tpu.memory_space<hbm>>, %arg6: memref<2x10112x128xf32, #tpu.memory_space<hbm>>, %arg7: memref<2x128xi32, #tpu.memory_space<vmem>>, %arg8: memref<2x128xi32, #tpu.memory_space<vmem>>, %arg9: memref<2x128x128xf32, #tpu.memory_space<vmem>>, %arg10: memref<10112x128xf32, #tpu.memory_space<vmem_shared>>, %arg11: memref<!tpu.dma_semaphore, #tpu.memory_space<semaphore_mem>>, %arg12: memref<!tpu.dma_semaphore, #tpu.memory_space<semaphore_mem>>) attributes {dimension_semantics = [#tpu.dimension_semantics<core_parallel>, #tpu.dimension_semantics<subcore_parallel>], iteration_bounds = array<i64: 2, 16>, scalar_prefetch = 0 : i64, scratch_operands = 6 : i64, tpu.core_type = #tpu.core_type<sc_vector_subcore>, window_params = [{transform_indices = #map}, {transform_indices = #map}, {transform_indices = #map1}, {transform_indices = #map1}, {transform_indices = #map1}]} {
    %mul3A = arith.constant 16 : i32
    %mul3A_0 = arith.muli %arg0, %mul3A : i32
    %add3A = arith.addi %mul3A_0, %arg1 : i32
    %mul3A_1 = arith.constant 632 : i32
    %mul3A_2 = arith.muli %arg1, %mul3A_1 : i32
    %eq3A = arith.constant 0 : i32
    %eq3A_3 = arith.cmpi eq, %arg0, %eq3A : i32
    %select_n3A = arith.constant 54 : i32
    %select_n3A_4 = arith.constant 104 : i32
    %select_n3A_5 = arith.select %eq3A_3, %select_n3A_4, %select_n3A : i32
    %eq3A_6 = arith.constant 0 : i32
    %eq3A_7 = arith.cmpi eq, %arg0, %eq3A_6 : i32
    %convert_element_type3A = arith.extui %eq3A_7 : i1 to i32
    %cond3A = arith.constant 0 : i32
    %cond3A_8 = arith.cmpi ne, %convert_element_type3A, %cond3A : i32
    scf.if %cond3A_8 {
      "tpu.region"() ({
        %run_scoped3A_83 = tpu.sem_alloc : memref<!tpu.dma_semaphore, #tpu.memory_space<semaphore_mem>>
        %dma_start3A_84 = arith.constant 0 : i32
        %dma_start3A_85 = tpu.memref_slice %arg10[%mul3A_2, %dma_start3A_84] : memref<10112x128xf32, #tpu.memory_space<vmem_shared>> -> memref<632x128xf32, #tpu.memory_space<vmem_shared>>
        %dma_start3A_86 = arith.constant 0 : i32
        %dma_start3A_87 = tpu.memref_slice %arg2[%mul3A_2, %dma_start3A_86] : memref<10112x128xf32, #tpu.memory_space<hbm>> -> memref<632x128xf32, #tpu.memory_space<hbm>>
        tpu.enqueue_dma source(%dma_start3A_87 : memref<632x128xf32, #tpu.memory_space<hbm>>) target(%dma_start3A_85 : memref<632x128xf32, #tpu.memory_space<vmem_shared>>) target_semaphore(%run_scoped3A_83 : memref<!tpu.dma_semaphore, #tpu.memory_space<semaphore_mem>>)
        %dma_wait3A = arith.constant 0 : i32
        %dma_wait3A_88 = tpu.memref_slice %arg10[%mul3A_2, %dma_wait3A] : memref<10112x128xf32, #tpu.memory_space<vmem_shared>> -> memref<632x128xf32, #tpu.memory_space<vmem_shared>>
        %dma_wait3A_89 = arith.constant 0 : i32
        %dma_wait3A_90 = tpu.memref_slice %arg2[%mul3A_2, %dma_wait3A_89] : memref<10112x128xf32, #tpu.memory_space<hbm>> -> memref<632x128xf32, #tpu.memory_space<hbm>>
        tpu.wait_dma2 semaphore(%run_scoped3A_83 : memref<!tpu.dma_semaphore, #tpu.memory_space<semaphore_mem>>) src(%dma_wait3A_90 : memref<632x128xf32, #tpu.memory_space<hbm>>) dst(%dma_wait3A_88 : memref<632x128xf32, #tpu.memory_space<vmem_shared>>)
        tpu.yield
      }) : () -> ()
    } else {
    }
    %ne3A = arith.constant 0 : i32
    %ne3A_9 = arith.cmpi ne, %arg0, %ne3A : i32
    %convert_element_type3A_10 = arith.extui %ne3A_9 : i1 to i32
    %cond3A_11 = arith.constant 0 : i32
    %cond3A_12 = arith.cmpi ne, %convert_element_type3A_10, %cond3A_11 : i32
    scf.if %cond3A_12 {
      "tpu.region"() ({
        %run_scoped3A_83 = tpu.sem_alloc : memref<!tpu.dma_semaphore, #tpu.memory_space<semaphore_mem>>
        %dma_start3A_84 = arith.constant 0 : i32
        %dma_start3A_85 = tpu.memref_slice %arg10[%mul3A_2, %dma_start3A_84] : memref<10112x128xf32, #tpu.memory_space<vmem_shared>> -> memref<632x128xf32, #tpu.memory_space<vmem_shared>>
        %dma_start3A_86 = arith.constant 0 : i32
        %dma_start3A_87 = tpu.memref_slice %arg3[%mul3A_2, %dma_start3A_86] : memref<10112x128xf32, #tpu.memory_space<hbm>> -> memref<632x128xf32, #tpu.memory_space<hbm>>
        tpu.enqueue_dma source(%dma_start3A_87 : memref<632x128xf32, #tpu.memory_space<hbm>>) target(%dma_start3A_85 : memref<632x128xf32, #tpu.memory_space<vmem_shared>>) target_semaphore(%run_scoped3A_83 : memref<!tpu.dma_semaphore, #tpu.memory_space<semaphore_mem>>)
        %dma_wait3A = arith.constant 0 : i32
        %dma_wait3A_88 = tpu.memref_slice %arg10[%mul3A_2, %dma_wait3A] : memref<10112x128xf32, #tpu.memory_space<vmem_shared>> -> memref<632x128xf32, #tpu.memory_space<vmem_shared>>
        %dma_wait3A_89 = arith.constant 0 : i32
        %dma_wait3A_90 = tpu.memref_slice %arg3[%mul3A_2, %dma_wait3A_89] : memref<10112x128xf32, #tpu.memory_space<hbm>> -> memref<632x128xf32, #tpu.memory_space<hbm>>
        tpu.wait_dma2 semaphore(%run_scoped3A_83 : memref<!tpu.dma_semaphore, #tpu.memory_space<semaphore_mem>>) src(%dma_wait3A_90 : memref<632x128xf32, #tpu.memory_space<hbm>>) dst(%dma_wait3A_88 : memref<632x128xf32, #tpu.memory_space<vmem_shared>>)
        tpu.yield
      }) : () -> ()
    } else {
    }
    %barrier3A = arith.constant 0 : index
    tpu.barrier barrier_id(%barrier3A)
    %run_scoped3A = arith.constant 0 : i32
    %run_scoped3A_13 = arith.constant 0 : i32
    "tpu.region"() ({
      %run_scoped3A_83 = tpu.sem_alloc : memref<!tpu.dma_semaphore, #tpu.memory_space<semaphore_mem>>
      %dma_start3A_84 = arith.constant 0 : i32
      %dma_start3A_85 = tpu.memref_slice %arg7[%run_scoped3A_13, %dma_start3A_84] : memref<2x128xi32, #tpu.memory_space<vmem>> -> memref<1x128xi32, #tpu.memory_space<vmem>>
      %dma_start3A_86 = tpu.memref_squeeze %dma_start3A_85 : memref<1x128xi32, #tpu.memory_space<vmem>> -> memref<128xi32, #tpu.memory_space<vmem>>
      %dma_start3A_87 = arith.constant 0 : i32
      %dma_start3A_88 = tpu.memref_slice %arg4[%add3A, %run_scoped3A, %dma_start3A_87] : memref<32x104x128xi32, #tpu.memory_space<hbm>> -> memref<1x1x128xi32, #tpu.memory_space<hbm>>
      %dma_start3A_89 = tpu.memref_squeeze %dma_start3A_88 : memref<1x1x128xi32, #tpu.memory_space<hbm>> -> memref<128xi32, #tpu.memory_space<hbm>>
      %dma_start3A_90 = arith.constant 0 : i32
      %dma_start3A_91 = tpu.memref_slice %arg7[%run_scoped3A_13, %dma_start3A_90] : memref<2x128xi32, #tpu.memory_space<vmem>> -> memref<1x128xi32, #tpu.memory_space<vmem>>
      %dma_start3A_92 = tpu.memref_squeeze %dma_start3A_91 : memref<1x128xi32, #tpu.memory_space<vmem>> -> memref<128xi32, #tpu.memory_space<vmem>>
      %dma_start3A_93 = arith.constant 0 : i32
      %dma_start3A_94 = tpu.memref_slice %arg4[%add3A, %run_scoped3A, %dma_start3A_93] : memref<32x104x128xi32, #tpu.memory_space<hbm>> -> memref<1x1x128xi32, #tpu.memory_space<hbm>>
      %dma_start3A_95 = tpu.memref_squeeze %dma_start3A_94 : memref<1x1x128xi32, #tpu.memory_space<hbm>> -> memref<128xi32, #tpu.memory_space<hbm>>
      tpu.enqueue_dma source(%dma_start3A_95 : memref<128xi32, #tpu.memory_space<hbm>>) target(%dma_start3A_92 : memref<128xi32, #tpu.memory_space<vmem>>) target_semaphore(%run_scoped3A_83 : memref<!tpu.dma_semaphore, #tpu.memory_space<semaphore_mem>>)
      %dma_wait3A = arith.constant 0 : i32
      %dma_wait3A_96 = tpu.memref_slice %arg7[%run_scoped3A_13, %dma_wait3A] : memref<2x128xi32, #tpu.memory_space<vmem>> -> memref<1x128xi32, #tpu.memory_space<vmem>>
      %dma_wait3A_97 = tpu.memref_squeeze %dma_wait3A_96 : memref<1x128xi32, #tpu.memory_space<vmem>> -> memref<128xi32, #tpu.memory_space<vmem>>
      %dma_wait3A_98 = arith.constant 0 : i32
      %dma_wait3A_99 = tpu.memref_slice %arg4[%add3A, %run_scoped3A, %dma_wait3A_98] : memref<32x104x128xi32, #tpu.memory_space<hbm>> -> memref<1x1x128xi32, #tpu.memory_space<hbm>>
      %dma_wait3A_100 = tpu.memref_squeeze %dma_wait3A_99 : memref<1x1x128xi32, #tpu.memory_space<hbm>> -> memref<128xi32, #tpu.memory_space<hbm>>
      %dma_wait3A_101 = arith.constant 0 : i32
      %dma_wait3A_102 = tpu.memref_slice %arg7[%run_scoped3A_13, %dma_wait3A_101] : memref<2x128xi32, #tpu.memory_space<vmem>> -> memref<1x128xi32, #tpu.memory_space<vmem>>
      %dma_wait3A_103 = tpu.memref_squeeze %dma_wait3A_102 : memref<1x128xi32, #tpu.memory_space<vmem>> -> memref<128xi32, #tpu.memory_space<vmem>>
      %dma_wait3A_104 = arith.constant 0 : i32
      %dma_wait3A_105 = tpu.memref_slice %arg4[%add3A, %run_scoped3A, %dma_wait3A_104] : memref<32x104x128xi32, #tpu.memory_space<hbm>> -> memref<1x1x128xi32, #tpu.memory_space<hbm>>
      %dma_wait3A_106 = tpu.memref_squeeze %dma_wait3A_105 : memref<1x1x128xi32, #tpu.memory_space<hbm>> -> memref<128xi32, #tpu.memory_space<hbm>>
      tpu.wait_dma2 semaphore(%run_scoped3A_83 : memref<!tpu.dma_semaphore, #tpu.memory_space<semaphore_mem>>) src(%dma_wait3A_106 : memref<128xi32, #tpu.memory_space<hbm>>) dst(%dma_wait3A_103 : memref<128xi32, #tpu.memory_space<vmem>>)
      tpu.yield
    }) : () -> ()
    %run_scoped3A_14 = arith.constant 0 : i32
    %run_scoped3A_15 = arith.constant 0 : i32
    "tpu.region"() ({
      %run_scoped3A_83 = tpu.sem_alloc : memref<!tpu.dma_semaphore, #tpu.memory_space<semaphore_mem>>
      %dma_start3A_84 = arith.constant 0 : i32
      %dma_start3A_85 = tpu.memref_slice %arg8[%run_scoped3A_15, %dma_start3A_84] : memref<2x128xi32, #tpu.memory_space<vmem>> -> memref<1x128xi32, #tpu.memory_space<vmem>>
      %dma_start3A_86 = tpu.memref_squeeze %dma_start3A_85 : memref<1x128xi32, #tpu.memory_space<vmem>> -> memref<128xi32, #tpu.memory_space<vmem>>
      %dma_start3A_87 = arith.constant 0 : i32
      %dma_start3A_88 = tpu.memref_slice %arg5[%add3A, %run_scoped3A_14, %dma_start3A_87] : memref<32x104x128xi32, #tpu.memory_space<hbm>> -> memref<1x1x128xi32, #tpu.memory_space<hbm>>
      %dma_start3A_89 = tpu.memref_squeeze %dma_start3A_88 : memref<1x1x128xi32, #tpu.memory_space<hbm>> -> memref<128xi32, #tpu.memory_space<hbm>>
      %dma_start3A_90 = arith.constant 0 : i32
      %dma_start3A_91 = tpu.memref_slice %arg8[%run_scoped3A_15, %dma_start3A_90] : memref<2x128xi32, #tpu.memory_space<vmem>> -> memref<1x128xi32, #tpu.memory_space<vmem>>
      %dma_start3A_92 = tpu.memref_squeeze %dma_start3A_91 : memref<1x128xi32, #tpu.memory_space<vmem>> -> memref<128xi32, #tpu.memory_space<vmem>>
      %dma_start3A_93 = arith.constant 0 : i32
      %dma_start3A_94 = tpu.memref_slice %arg5[%add3A, %run_scoped3A_14, %dma_start3A_93] : memref<32x104x128xi32, #tpu.memory_space<hbm>> -> memref<1x1x128xi32, #tpu.memory_space<hbm>>
      %dma_start3A_95 = tpu.memref_squeeze %dma_start3A_94 : memref<1x1x128xi32, #tpu.memory_space<hbm>> -> memref<128xi32, #tpu.memory_space<hbm>>
      tpu.enqueue_dma source(%dma_start3A_95 : memref<128xi32, #tpu.memory_space<hbm>>) target(%dma_start3A_92 : memref<128xi32, #tpu.memory_space<vmem>>) target_semaphore(%run_scoped3A_83 : memref<!tpu.dma_semaphore, #tpu.memory_space<semaphore_mem>>)
      %dma_wait3A = arith.constant 0 : i32
      %dma_wait3A_96 = tpu.memref_slice %arg8[%run_scoped3A_15, %dma_wait3A] : memref<2x128xi32, #tpu.memory_space<vmem>> -> memref<1x128xi32, #tpu.memory_space<vmem>>
      %dma_wait3A_97 = tpu.memref_squeeze %dma_wait3A_96 : memref<1x128xi32, #tpu.memory_space<vmem>> -> memref<128xi32, #tpu.memory_space<vmem>>
      %dma_wait3A_98 = arith.constant 0 : i32
      %dma_wait3A_99 = tpu.memref_slice %arg5[%add3A, %run_scoped3A_14, %dma_wait3A_98] : memref<32x104x128xi32, #tpu.memory_space<hbm>> -> memref<1x1x128xi32, #tpu.memory_space<hbm>>
      %dma_wait3A_100 = tpu.memref_squeeze %dma_wait3A_99 : memref<1x1x128xi32, #tpu.memory_space<hbm>> -> memref<128xi32, #tpu.memory_space<hbm>>
      %dma_wait3A_101 = arith.constant 0 : i32
      %dma_wait3A_102 = tpu.memref_slice %arg8[%run_scoped3A_15, %dma_wait3A_101] : memref<2x128xi32, #tpu.memory_space<vmem>> -> memref<1x128xi32, #tpu.memory_space<vmem>>
      %dma_wait3A_103 = tpu.memref_squeeze %dma_wait3A_102 : memref<1x128xi32, #tpu.memory_space<vmem>> -> memref<128xi32, #tpu.memory_space<vmem>>
      %dma_wait3A_104 = arith.constant 0 : i32
      %dma_wait3A_105 = tpu.memref_slice %arg5[%add3A, %run_scoped3A_14, %dma_wait3A_104] : memref<32x104x128xi32, #tpu.memory_space<hbm>> -> memref<1x1x128xi32, #tpu.memory_space<hbm>>
      %dma_wait3A_106 = tpu.memref_squeeze %dma_wait3A_105 : memref<1x1x128xi32, #tpu.memory_space<hbm>> -> memref<128xi32, #tpu.memory_space<hbm>>
      tpu.wait_dma2 semaphore(%run_scoped3A_83 : memref<!tpu.dma_semaphore, #tpu.memory_space<semaphore_mem>>) src(%dma_wait3A_106 : memref<128xi32, #tpu.memory_space<hbm>>) dst(%dma_wait3A_103 : memref<128xi32, #tpu.memory_space<vmem>>)
      tpu.yield
    }) : () -> ()
    %dma_start3A = arith.constant 0 : i32
    %dma_start3A_16 = arith.constant 0 : i32
    %dma_start3A_17 = arith.constant 0 : i32
    %dma_start3A_18 = arith.constant 0 : i32
    %dma_start3A_19 = tpu.memref_slice %arg9[%dma_start3A_16, %dma_start3A_17, %dma_start3A_18] : memref<2x128x128xf32, #tpu.memory_space<vmem>> -> memref<1x128x128xf32, #tpu.memory_space<vmem>>
    %dma_start3A_20 = tpu.memref_squeeze %dma_start3A_19 : memref<1x128x128xf32, #tpu.memory_space<vmem>> -> memref<128x128xf32, #tpu.memory_space<vmem>>
    %dma_start3A_21 = arith.constant 0 : i32
    %dma_start3A_22 = tpu.memref_slice %arg7[%dma_start3A, %dma_start3A_21] : memref<2x128xi32, #tpu.memory_space<vmem>> -> memref<1x128xi32, #tpu.memory_space<vmem>>
    %dma_start3A_23 = tpu.memref_squeeze %dma_start3A_22 : memref<1x128xi32, #tpu.memory_space<vmem>> -> memref<128xi32, #tpu.memory_space<vmem>>
    %dma_start3A_24 = arith.constant 0 : i32
    %dma_start3A_25 = arith.constant 0 : i32
    %dma_start3A_26 = tpu.memref_slice %arg2[%dma_start3A_24, %dma_start3A_25] : memref<10112x128xf32, #tpu.memory_space<hbm>> -> memref<10112x128xf32, #tpu.memory_space<hbm>>
    tpu.enqueue_indirect_dma source(%dma_start3A_26 : memref<10112x128xf32, #tpu.memory_space<hbm>>) target(%dma_start3A_20 : memref<128x128xf32, #tpu.memory_space<vmem>>) offsets(%dma_start3A_23 : memref<128xi32, #tpu.memory_space<vmem>>) semaphore(%arg11 : memref<!tpu.dma_semaphore, #tpu.memory_space<semaphore_mem>>)
    %dma_start3A_27 = arith.constant 1 : i32
    %dma_start3A_28 = arith.constant 1 : i32
    %dma_start3A_29 = arith.constant 0 : i32
    %dma_start3A_30 = tpu.memref_slice %arg7[%dma_start3A_28, %dma_start3A_29] : memref<2x128xi32, #tpu.memory_space<vmem>> -> memref<1x128xi32, #tpu.memory_space<vmem>>
    %dma_start3A_31 = tpu.memref_squeeze %dma_start3A_30 : memref<1x128xi32, #tpu.memory_space<vmem>> -> memref<128xi32, #tpu.memory_space<vmem>>
    %dma_start3A_32 = arith.constant 0 : i32
    %dma_start3A_33 = tpu.memref_slice %arg4[%add3A, %dma_start3A_27, %dma_start3A_32] : memref<32x104x128xi32, #tpu.memory_space<hbm>> -> memref<1x1x128xi32, #tpu.memory_space<hbm>>
    %dma_start3A_34 = tpu.memref_squeeze %dma_start3A_33 : memref<1x1x128xi32, #tpu.memory_space<hbm>> -> memref<128xi32, #tpu.memory_space<hbm>>
    %dma_start3A_35 = arith.constant 0 : i32
    %dma_start3A_36 = tpu.memref_slice %arg7[%dma_start3A_28, %dma_start3A_35] : memref<2x128xi32, #tpu.memory_space<vmem>> -> memref<1x128xi32, #tpu.memory_space<vmem>>
    %dma_start3A_37 = tpu.memref_squeeze %dma_start3A_36 : memref<1x128xi32, #tpu.memory_space<vmem>> -> memref<128xi32, #tpu.memory_space<vmem>>
    %dma_start3A_38 = arith.constant 0 : i32
    %dma_start3A_39 = tpu.memref_slice %arg4[%add3A, %dma_start3A_27, %dma_start3A_38] : memref<32x104x128xi32, #tpu.memory_space<hbm>> -> memref<1x1x128xi32, #tpu.memory_space<hbm>>
    %dma_start3A_40 = tpu.memref_squeeze %dma_start3A_39 : memref<1x1x128xi32, #tpu.memory_space<hbm>> -> memref<128xi32, #tpu.memory_space<hbm>>
    tpu.enqueue_dma source(%dma_start3A_40 : memref<128xi32, #tpu.memory_space<hbm>>) target(%dma_start3A_37 : memref<128xi32, #tpu.memory_space<vmem>>) target_semaphore(%arg12 : memref<!tpu.dma_semaphore, #tpu.memory_space<semaphore_mem>>)
    %dma_start3A_41 = arith.constant 1 : i32
    %dma_start3A_42 = arith.constant 1 : i32
    %dma_start3A_43 = arith.constant 0 : i32
    %dma_start3A_44 = tpu.memref_slice %arg8[%dma_start3A_42, %dma_start3A_43] : memref<2x128xi32, #tpu.memory_space<vmem>> -> memref<1x128xi32, #tpu.memory_space<vmem>>
    %dma_start3A_45 = tpu.memref_squeeze %dma_start3A_44 : memref<1x128xi32, #tpu.memory_space<vmem>> -> memref<128xi32, #tpu.memory_space<vmem>>
    %dma_start3A_46 = arith.constant 0 : i32
    %dma_start3A_47 = tpu.memref_slice %arg5[%add3A, %dma_start3A_41, %dma_start3A_46] : memref<32x104x128xi32, #tpu.memory_space<hbm>> -> memref<1x1x128xi32, #tpu.memory_space<hbm>>
    %dma_start3A_48 = tpu.memref_squeeze %dma_start3A_47 : memref<1x1x128xi32, #tpu.memory_space<hbm>> -> memref<128xi32, #tpu.memory_space<hbm>>
    %dma_start3A_49 = arith.constant 0 : i32
    %dma_start3A_50 = tpu.memref_slice %arg8[%dma_start3A_42, %dma_start3A_49] : memref<2x128xi32, #tpu.memory_space<vmem>> -> memref<1x128xi32, #tpu.memory_space<vmem>>
    %dma_start3A_51 = tpu.memref_squeeze %dma_start3A_50 : memref<1x128xi32, #tpu.memory_space<vmem>> -> memref<128xi32, #tpu.memory_space<vmem>>
    %dma_start3A_52 = arith.constant 0 : i32
    %dma_start3A_53 = tpu.memref_slice %arg5[%add3A, %dma_start3A_41, %dma_start3A_52] : memref<32x104x128xi32, #tpu.memory_space<hbm>> -> memref<1x1x128xi32, #tpu.memory_space<hbm>>
    %dma_start3A_54 = tpu.memref_squeeze %dma_start3A_53 : memref<1x1x128xi32, #tpu.memory_space<hbm>> -> memref<128xi32, #tpu.memory_space<hbm>>
    tpu.enqueue_dma source(%dma_start3A_54 : memref<128xi32, #tpu.memory_space<hbm>>) target(%dma_start3A_51 : memref<128xi32, #tpu.memory_space<vmem>>) target_semaphore(%arg12 : memref<!tpu.dma_semaphore, #tpu.memory_space<semaphore_mem>>)
    %jit3A = arith.constant 2 : i32
    %div3A = arith.divsi %select_n3A_5, %jit3A : i32
    %sign3A = arith.constant 0 : i32
    %sign3A_55 = arith.cmpi sgt, %select_n3A_5, %sign3A : i32
    %sign3A_56 = arith.extui %sign3A_55 : i1 to i32
    %sign3A_57 = arith.constant 0 : i32
    %sign3A_58 = arith.cmpi slt, %select_n3A_5, %sign3A_57 : i32
    %sign3A_59 = arith.extui %sign3A_58 : i1 to i32
    %sign3A_60 = arith.subi %sign3A_56, %sign3A_59 : i32
    %sign3A_61 = arith.constant 0 : i32
    %sign3A_62 = arith.cmpi sgt, %jit3A, %sign3A_61 : i32
    %sign3A_63 = arith.extui %sign3A_62 : i1 to i32
    %sign3A_64 = arith.constant 0 : i32
    %sign3A_65 = arith.cmpi slt, %jit3A, %sign3A_64 : i32
    %sign3A_66 = arith.extui %sign3A_65 : i1 to i32
    %sign3A_67 = arith.subi %sign3A_63, %sign3A_66 : i32
    %ne3A_68 = arith.cmpi ne, %sign3A_60, %sign3A_67 : i32
    %rem3A = arith.remsi %select_n3A_5, %jit3A : i32
    %ne3A_69 = arith.constant 0 : i32
    %ne3A_70 = arith.cmpi ne, %rem3A, %ne3A_69 : i32
    %and3A = arith.andi %ne3A_68, %ne3A_70 : i1
    %sub3A = arith.constant 1 : i32
    %sub3A_71 = arith.subi %div3A, %sub3A : i32
    %select_n3A_72 = arith.select %and3A, %sub3A_71, %div3A : i32
    %while3A = arith.constant 0 : i32
    %while3A_73 = arith.constant 0 : i32
    %while3A_74 = arith.subi %select_n3A_72, %while3A_73 : i32
    %while3A_75 = arith.addi %while3A_73, %while3A_74 : i32
    %while3A_76 = arith.constant 1 : i32
    %while3A_77 = arith.divsi %while3A_74, %while3A_76 : i32
    %while3A_78 = arith.muli %while3A_77, %while3A_76 : i32
    %while3A_79 = arith.addi %while3A_73, %while3A_78 : i32
    %while3A_80 = arith.constant 1 : i32
    scf.for %while3A_83 = %while3A_73 to %while3A_79 step %while3A_80  : i32 {
      %mul3A_84 = arith.constant 2 : i32
      %mul3A_85 = arith.muli %mul3A_84, %while3A_83 : i32
      %add3A_86 = arith.constant 0 : i32
      %add3A_87 = arith.addi %mul3A_85, %add3A_86 : i32
      %dma_wait3A = arith.constant 0 : i32
      %dma_wait3A_88 = arith.constant 0 : i32
      %dma_wait3A_89 = arith.constant 0 : i32
      %dma_wait3A_90 = arith.constant 0 : i32
      %dma_wait3A_91 = tpu.memref_slice %arg9[%dma_wait3A_88, %dma_wait3A_89, %dma_wait3A_90] : memref<2x128x128xf32, #tpu.memory_space<vmem>> -> memref<1x128x128xf32, #tpu.memory_space<vmem>>
      %dma_wait3A_92 = tpu.memref_squeeze %dma_wait3A_91 : memref<1x128x128xf32, #tpu.memory_space<vmem>> -> memref<128x128xf32, #tpu.memory_space<vmem>>
      %dma_wait3A_93 = arith.constant 0 : i32
      %dma_wait3A_94 = tpu.memref_slice %arg7[%dma_wait3A, %dma_wait3A_93] : memref<2x128xi32, #tpu.memory_space<vmem>> -> memref<1x128xi32, #tpu.memory_space<vmem>>
      %dma_wait3A_95 = tpu.memref_squeeze %dma_wait3A_94 : memref<1x128xi32, #tpu.memory_space<vmem>> -> memref<128xi32, #tpu.memory_space<vmem>>
      %dma_wait3A_96 = arith.constant 0 : i32
      %dma_wait3A_97 = arith.constant 0 : i32
      %dma_wait3A_98 = tpu.memref_slice %arg2[%dma_wait3A_96, %dma_wait3A_97] : memref<10112x128xf32, #tpu.memory_space<hbm>> -> memref<10112x128xf32, #tpu.memory_space<hbm>>
      tpu.wait_indirect_dma semaphore(%arg11 : memref<!tpu.dma_semaphore, #tpu.memory_space<semaphore_mem>>) src(%dma_wait3A_98 : memref<10112x128xf32, #tpu.memory_space<hbm>>) dst(%dma_wait3A_92 : memref<128x128xf32, #tpu.memory_space<vmem>>)
      %add3A_99 = arith.constant 1 : i32
      %add3A_100 = arith.addi %add3A_87, %add3A_99 : i32
      %lt3A = arith.cmpi slt, %add3A_100, %select_n3A_5 : i32
      %convert_element_type3A_101 = arith.extui %lt3A : i1 to i32
      %cond3A_102 = arith.constant 0 : i32
      %cond3A_103 = arith.cmpi ne, %convert_element_type3A_101, %cond3A_102 : i32
      scf.if %cond3A_103 {
        %add3A_142 = arith.constant 1 : i32
        %add3A_143 = arith.addi %add3A_87, %add3A_142 : i32
        %dma_wait3A_144 = arith.constant 1 : i32
        %dma_wait3A_145 = arith.constant 0 : i32
        %dma_wait3A_146 = tpu.memref_slice %arg7[%dma_wait3A_144, %dma_wait3A_145] : memref<2x128xi32, #tpu.memory_space<vmem>> -> memref<1x128xi32, #tpu.memory_space<vmem>>
        %dma_wait3A_147 = tpu.memref_squeeze %dma_wait3A_146 : memref<1x128xi32, #tpu.memory_space<vmem>> -> memref<128xi32, #tpu.memory_space<vmem>>
        %dma_wait3A_148 = arith.constant 0 : i32
        %dma_wait3A_149 = tpu.memref_slice %arg4[%add3A, %add3A_143, %dma_wait3A_148] : memref<32x104x128xi32, #tpu.memory_space<hbm>> -> memref<1x1x128xi32, #tpu.memory_space<hbm>>
        %dma_wait3A_150 = tpu.memref_squeeze %dma_wait3A_149 : memref<1x1x128xi32, #tpu.memory_space<hbm>> -> memref<128xi32, #tpu.memory_space<hbm>>
        %dma_wait3A_151 = arith.constant 0 : i32
        %dma_wait3A_152 = tpu.memref_slice %arg7[%dma_wait3A_144, %dma_wait3A_151] : memref<2x128xi32, #tpu.memory_space<vmem>> -> memref<1x128xi32, #tpu.memory_space<vmem>>
        %dma_wait3A_153 = tpu.memref_squeeze %dma_wait3A_152 : memref<1x128xi32, #tpu.memory_space<vmem>> -> memref<128xi32, #tpu.memory_space<vmem>>
        %dma_wait3A_154 = arith.constant 0 : i32
        %dma_wait3A_155 = tpu.memref_slice %arg4[%add3A, %add3A_143, %dma_wait3A_154] : memref<32x104x128xi32, #tpu.memory_space<hbm>> -> memref<1x1x128xi32, #tpu.memory_space<hbm>>
        %dma_wait3A_156 = tpu.memref_squeeze %dma_wait3A_155 : memref<1x1x128xi32, #tpu.memory_space<hbm>> -> memref<128xi32, #tpu.memory_space<hbm>>
        tpu.wait_dma2 semaphore(%arg12 : memref<!tpu.dma_semaphore, #tpu.memory_space<semaphore_mem>>) src(%dma_wait3A_156 : memref<128xi32, #tpu.memory_space<hbm>>) dst(%dma_wait3A_153 : memref<128xi32, #tpu.memory_space<vmem>>)
        %add3A_157 = arith.constant 1 : i32
        %add3A_158 = arith.addi %add3A_87, %add3A_157 : i32
        %dma_wait3A_159 = arith.constant 1 : i32
        %dma_wait3A_160 = arith.constant 0 : i32
        %dma_wait3A_161 = tpu.memref_slice %arg8[%dma_wait3A_159, %dma_wait3A_160] : memref<2x128xi32, #tpu.memory_space<vmem>> -> memref<1x128xi32, #tpu.memory_space<vmem>>
        %dma_wait3A_162 = tpu.memref_squeeze %dma_wait3A_161 : memref<1x128xi32, #tpu.memory_space<vmem>> -> memref<128xi32, #tpu.memory_space<vmem>>
        %dma_wait3A_163 = arith.constant 0 : i32
        %dma_wait3A_164 = tpu.memref_slice %arg5[%add3A, %add3A_158, %dma_wait3A_163] : memref<32x104x128xi32, #tpu.memory_space<hbm>> -> memref<1x1x128xi32, #tpu.memory_space<hbm>>
        %dma_wait3A_165 = tpu.memref_squeeze %dma_wait3A_164 : memref<1x1x128xi32, #tpu.memory_space<hbm>> -> memref<128xi32, #tpu.memory_space<hbm>>
        %dma_wait3A_166 = arith.constant 0 : i32
        %dma_wait3A_167 = tpu.memref_slice %arg8[%dma_wait3A_159, %dma_wait3A_166] : memref<2x128xi32, #tpu.memory_space<vmem>> -> memref<1x128xi32, #tpu.memory_space<vmem>>
        %dma_wait3A_168 = tpu.memref_squeeze %dma_wait3A_167 : memref<1x128xi32, #tpu.memory_space<vmem>> -> memref<128xi32, #tpu.memory_space<vmem>>
        %dma_wait3A_169 = arith.constant 0 : i32
        %dma_wait3A_170 = tpu.memref_slice %arg5[%add3A, %add3A_158, %dma_wait3A_169] : memref<32x104x128xi32, #tpu.memory_space<hbm>> -> memref<1x1x128xi32, #tpu.memory_space<hbm>>
        %dma_wait3A_171 = tpu.memref_squeeze %dma_wait3A_170 : memref<1x1x128xi32, #tpu.memory_space<hbm>> -> memref<128xi32, #tpu.memory_space<hbm>>
        tpu.wait_dma2 semaphore(%arg12 : memref<!tpu.dma_semaphore, #tpu.memory_space<semaphore_mem>>) src(%dma_wait3A_171 : memref<128xi32, #tpu.memory_space<hbm>>) dst(%dma_wait3A_168 : memref<128xi32, #tpu.memory_space<vmem>>)
        %dma_start3A_172 = arith.constant 1 : i32
        %dma_start3A_173 = arith.constant 1 : i32
        %dma_start3A_174 = arith.constant 0 : i32
        %dma_start3A_175 = arith.constant 0 : i32
        %dma_start3A_176 = tpu.memref_slice %arg9[%dma_start3A_173, %dma_start3A_174, %dma_start3A_175] : memref<2x128x128xf32, #tpu.memory_space<vmem>> -> memref<1x128x128xf32, #tpu.memory_space<vmem>>
        %dma_start3A_177 = tpu.memref_squeeze %dma_start3A_176 : memref<1x128x128xf32, #tpu.memory_space<vmem>> -> memref<128x128xf32, #tpu.memory_space<vmem>>
        %dma_start3A_178 = arith.constant 0 : i32
        %dma_start3A_179 = tpu.memref_slice %arg7[%dma_start3A_172, %dma_start3A_178] : memref<2x128xi32, #tpu.memory_space<vmem>> -> memref<1x128xi32, #tpu.memory_space<vmem>>
        %dma_start3A_180 = tpu.memref_squeeze %dma_start3A_179 : memref<1x128xi32, #tpu.memory_space<vmem>> -> memref<128xi32, #tpu.memory_space<vmem>>
        %dma_start3A_181 = arith.constant 0 : i32
        %dma_start3A_182 = arith.constant 0 : i32
        %dma_start3A_183 = tpu.memref_slice %arg2[%dma_start3A_181, %dma_start3A_182] : memref<10112x128xf32, #tpu.memory_space<hbm>> -> memref<10112x128xf32, #tpu.memory_space<hbm>>
        tpu.enqueue_indirect_dma source(%dma_start3A_183 : memref<10112x128xf32, #tpu.memory_space<hbm>>) target(%dma_start3A_177 : memref<128x128xf32, #tpu.memory_space<vmem>>) offsets(%dma_start3A_180 : memref<128xi32, #tpu.memory_space<vmem>>) semaphore(%arg11 : memref<!tpu.dma_semaphore, #tpu.memory_space<semaphore_mem>>)
      } else {
      }
      %run_scoped3A_104 = arith.constant 0 : i32
      %run_scoped3A_105 = arith.constant 0 : i32
      "tpu.region"() ({
        %run_scoped3A_142 = tpu.sem_alloc : memref<!tpu.dma_semaphore, #tpu.memory_space<semaphore_mem>>
        %dma_start3A_143 = arith.constant 0 : i32
        %dma_start3A_144 = arith.constant 0 : i32
        %dma_start3A_145 = tpu.memref_slice %arg9[%run_scoped3A_104, %dma_start3A_143, %dma_start3A_144] : memref<2x128x128xf32, #tpu.memory_space<vmem>> -> memref<1x128x128xf32, #tpu.memory_space<vmem>>
        %dma_start3A_146 = tpu.memref_squeeze %dma_start3A_145 : memref<1x128x128xf32, #tpu.memory_space<vmem>> -> memref<128x128xf32, #tpu.memory_space<vmem>>
        %dma_start3A_147 = arith.constant 0 : i32
        %dma_start3A_148 = tpu.memref_slice %arg8[%run_scoped3A_105, %dma_start3A_147] : memref<2x128xi32, #tpu.memory_space<vmem>> -> memref<1x128xi32, #tpu.memory_space<vmem>>
        %dma_start3A_149 = tpu.memref_squeeze %dma_start3A_148 : memref<1x128xi32, #tpu.memory_space<vmem>> -> memref<128xi32, #tpu.memory_space<vmem>>
        %dma_start3A_150 = arith.constant 0 : i32
        %dma_start3A_151 = arith.constant 0 : i32
        %dma_start3A_152 = tpu.memref_slice %arg10[%dma_start3A_150, %dma_start3A_151] : memref<10112x128xf32, #tpu.memory_space<vmem_shared>> -> memref<10112x128xf32, #tpu.memory_space<vmem_shared>>
        tpu.enqueue_indirect_dma source(%dma_start3A_146 : memref<128x128xf32, #tpu.memory_space<vmem>>) target(%dma_start3A_152 : memref<10112x128xf32, #tpu.memory_space<vmem_shared>>) offsets(%dma_start3A_149 : memref<128xi32, #tpu.memory_space<vmem>>) semaphore(%run_scoped3A_142 : memref<!tpu.dma_semaphore, #tpu.memory_space<semaphore_mem>>) {add = true}
        %dma_wait3A_153 = arith.constant 0 : i32
        %dma_wait3A_154 = arith.constant 0 : i32
        %dma_wait3A_155 = tpu.memref_slice %arg9[%run_scoped3A_104, %dma_wait3A_153, %dma_wait3A_154] : memref<2x128x128xf32, #tpu.memory_space<vmem>> -> memref<1x128x128xf32, #tpu.memory_space<vmem>>
        %dma_wait3A_156 = tpu.memref_squeeze %dma_wait3A_155 : memref<1x128x128xf32, #tpu.memory_space<vmem>> -> memref<128x128xf32, #tpu.memory_space<vmem>>
        %dma_wait3A_157 = arith.constant 0 : i32
        %dma_wait3A_158 = tpu.memref_slice %arg8[%run_scoped3A_105, %dma_wait3A_157] : memref<2x128xi32, #tpu.memory_space<vmem>> -> memref<1x128xi32, #tpu.memory_space<vmem>>
        %dma_wait3A_159 = tpu.memref_squeeze %dma_wait3A_158 : memref<1x128xi32, #tpu.memory_space<vmem>> -> memref<128xi32, #tpu.memory_space<vmem>>
        %dma_wait3A_160 = arith.constant 0 : i32
        %dma_wait3A_161 = arith.constant 0 : i32
        %dma_wait3A_162 = tpu.memref_slice %arg10[%dma_wait3A_160, %dma_wait3A_161] : memref<10112x128xf32, #tpu.memory_space<vmem_shared>> -> memref<10112x128xf32, #tpu.memory_space<vmem_shared>>
        tpu.wait_indirect_dma semaphore(%run_scoped3A_142 : memref<!tpu.dma_semaphore, #tpu.memory_space<semaphore_mem>>) src(%dma_wait3A_156 : memref<128x128xf32, #tpu.memory_space<vmem>>) dst(%dma_wait3A_162 : memref<10112x128xf32, #tpu.memory_space<vmem_shared>>)
        tpu.yield
      }) : () -> ()
      %add3A_106 = arith.constant 2 : i32
      %add3A_107 = arith.addi %add3A_87, %add3A_106 : i32
      %lt3A_108 = arith.cmpi slt, %add3A_107, %select_n3A_5 : i32
      %convert_element_type3A_109 = arith.extui %lt3A_108 : i1 to i32
      %cond3A_110 = arith.constant 0 : i32
      %cond3A_111 = arith.cmpi ne, %convert_element_type3A_109, %cond3A_110 : i32
      scf.if %cond3A_111 {
        %add3A_142 = arith.constant 2 : i32
        %add3A_143 = arith.addi %add3A_87, %add3A_142 : i32
        %dma_start3A_144 = arith.constant 0 : i32
        %dma_start3A_145 = arith.constant 0 : i32
        %dma_start3A_146 = tpu.memref_slice %arg7[%dma_start3A_144, %dma_start3A_145] : memref<2x128xi32, #tpu.memory_space<vmem>> -> memref<1x128xi32, #tpu.memory_space<vmem>>
        %dma_start3A_147 = tpu.memref_squeeze %dma_start3A_146 : memref<1x128xi32, #tpu.memory_space<vmem>> -> memref<128xi32, #tpu.memory_space<vmem>>
        %dma_start3A_148 = arith.constant 0 : i32
        %dma_start3A_149 = tpu.memref_slice %arg4[%add3A, %add3A_143, %dma_start3A_148] : memref<32x104x128xi32, #tpu.memory_space<hbm>> -> memref<1x1x128xi32, #tpu.memory_space<hbm>>
        %dma_start3A_150 = tpu.memref_squeeze %dma_start3A_149 : memref<1x1x128xi32, #tpu.memory_space<hbm>> -> memref<128xi32, #tpu.memory_space<hbm>>
        %dma_start3A_151 = arith.constant 0 : i32
        %dma_start3A_152 = tpu.memref_slice %arg7[%dma_start3A_144, %dma_start3A_151] : memref<2x128xi32, #tpu.memory_space<vmem>> -> memref<1x128xi32, #tpu.memory_space<vmem>>
        %dma_start3A_153 = tpu.memref_squeeze %dma_start3A_152 : memref<1x128xi32, #tpu.memory_space<vmem>> -> memref<128xi32, #tpu.memory_space<vmem>>
        %dma_start3A_154 = arith.constant 0 : i32
        %dma_start3A_155 = tpu.memref_slice %arg4[%add3A, %add3A_143, %dma_start3A_154] : memref<32x104x128xi32, #tpu.memory_space<hbm>> -> memref<1x1x128xi32, #tpu.memory_space<hbm>>
        %dma_start3A_156 = tpu.memref_squeeze %dma_start3A_155 : memref<1x1x128xi32, #tpu.memory_space<hbm>> -> memref<128xi32, #tpu.memory_space<hbm>>
        tpu.enqueue_dma source(%dma_start3A_156 : memref<128xi32, #tpu.memory_space<hbm>>) target(%dma_start3A_153 : memref<128xi32, #tpu.memory_space<vmem>>) target_semaphore(%arg12 : memref<!tpu.dma_semaphore, #tpu.memory_space<semaphore_mem>>)
        %add3A_157 = arith.constant 2 : i32
        %add3A_158 = arith.addi %add3A_87, %add3A_157 : i32
        %dma_start3A_159 = arith.constant 0 : i32
        %dma_start3A_160 = arith.constant 0 : i32
        %dma_start3A_161 = tpu.memref_slice %arg8[%dma_start3A_159, %dma_start3A_160] : memref<2x128xi32, #tpu.memory_space<vmem>> -> memref<1x128xi32, #tpu.memory_space<vmem>>
        %dma_start3A_162 = tpu.memref_squeeze %dma_start3A_161 : memref<1x128xi32, #tpu.memory_space<vmem>> -> memref<128xi32, #tpu.memory_space<vmem>>
        %dma_start3A_163 = arith.constant 0 : i32
        %dma_start3A_164 = tpu.memref_slice %arg5[%add3A, %add3A_158, %dma_start3A_163] : memref<32x104x128xi32, #tpu.memory_space<hbm>> -> memref<1x1x128xi32, #tpu.memory_space<hbm>>
        %dma_start3A_165 = tpu.memref_squeeze %dma_start3A_164 : memref<1x1x128xi32, #tpu.memory_space<hbm>> -> memref<128xi32, #tpu.memory_space<hbm>>
        %dma_start3A_166 = arith.constant 0 : i32
        %dma_start3A_167 = tpu.memref_slice %arg8[%dma_start3A_159, %dma_start3A_166] : memref<2x128xi32, #tpu.memory_space<vmem>> -> memref<1x128xi32, #tpu.memory_space<vmem>>
        %dma_start3A_168 = tpu.memref_squeeze %dma_start3A_167 : memref<1x128xi32, #tpu.memory_space<vmem>> -> memref<128xi32, #tpu.memory_space<vmem>>
        %dma_start3A_169 = arith.constant 0 : i32
        %dma_start3A_170 = tpu.memref_slice %arg5[%add3A, %add3A_158, %dma_start3A_169] : memref<32x104x128xi32, #tpu.memory_space<hbm>> -> memref<1x1x128xi32, #tpu.memory_space<hbm>>
        %dma_start3A_171 = tpu.memref_squeeze %dma_start3A_170 : memref<1x1x128xi32, #tpu.memory_space<hbm>> -> memref<128xi32, #tpu.memory_space<hbm>>
        tpu.enqueue_dma source(%dma_start3A_171 : memref<128xi32, #tpu.memory_space<hbm>>) target(%dma_start3A_168 : memref<128xi32, #tpu.memory_space<vmem>>) target_semaphore(%arg12 : memref<!tpu.dma_semaphore, #tpu.memory_space<semaphore_mem>>)
      } else {
      }
      %mul3A_112 = arith.constant 2 : i32
      %mul3A_113 = arith.muli %mul3A_112, %while3A_83 : i32
      %add3A_114 = arith.constant 1 : i32
      %add3A_115 = arith.addi %mul3A_113, %add3A_114 : i32
      %dma_wait3A_116 = arith.constant 1 : i32
      %dma_wait3A_117 = arith.constant 1 : i32
      %dma_wait3A_118 = arith.constant 0 : i32
      %dma_wait3A_119 = arith.constant 0 : i32
      %dma_wait3A_120 = tpu.memref_slice %arg9[%dma_wait3A_117, %dma_wait3A_118, %dma_wait3A_119] : memref<2x128x128xf32, #tpu.memory_space<vmem>> -> memref<1x128x128xf32, #tpu.memory_space<vmem>>
      %dma_wait3A_121 = tpu.memref_squeeze %dma_wait3A_120 : memref<1x128x128xf32, #tpu.memory_space<vmem>> -> memref<128x128xf32, #tpu.memory_space<vmem>>
      %dma_wait3A_122 = arith.constant 0 : i32
      %dma_wait3A_123 = tpu.memref_slice %arg7[%dma_wait3A_116, %dma_wait3A_122] : memref<2x128xi32, #tpu.memory_space<vmem>> -> memref<1x128xi32, #tpu.memory_space<vmem>>
      %dma_wait3A_124 = tpu.memref_squeeze %dma_wait3A_123 : memref<1x128xi32, #tpu.memory_space<vmem>> -> memref<128xi32, #tpu.memory_space<vmem>>
      %dma_wait3A_125 = arith.constant 0 : i32
      %dma_wait3A_126 = arith.constant 0 : i32
      %dma_wait3A_127 = tpu.memref_slice %arg2[%dma_wait3A_125, %dma_wait3A_126] : memref<10112x128xf32, #tpu.memory_space<hbm>> -> memref<10112x128xf32, #tpu.memory_space<hbm>>
      tpu.wait_indirect_dma semaphore(%arg11 : memref<!tpu.dma_semaphore, #tpu.memory_space<semaphore_mem>>) src(%dma_wait3A_127 : memref<10112x128xf32, #tpu.memory_space<hbm>>) dst(%dma_wait3A_121 : memref<128x128xf32, #tpu.memory_space<vmem>>)
      %add3A_128 = arith.constant 1 : i32
      %add3A_129 = arith.addi %add3A_115, %add3A_128 : i32
      %lt3A_130 = arith.cmpi slt, %add3A_129, %select_n3A_5 : i32
      %convert_element_type3A_131 = arith.extui %lt3A_130 : i1 to i32
      %cond3A_132 = arith.constant 0 : i32
      %cond3A_133 = arith.cmpi ne, %convert_element_type3A_131, %cond3A_132 : i32
      scf.if %cond3A_133 {
        %add3A_142 = arith.constant 1 : i32
        %add3A_143 = arith.addi %add3A_115, %add3A_142 : i32
        %dma_wait3A_144 = arith.constant 0 : i32
        %dma_wait3A_145 = arith.constant 0 : i32
        %dma_wait3A_146 = tpu.memref_slice %arg7[%dma_wait3A_144, %dma_wait3A_145] : memref<2x128xi32, #tpu.memory_space<vmem>> -> memref<1x128xi32, #tpu.memory_space<vmem>>
        %dma_wait3A_147 = tpu.memref_squeeze %dma_wait3A_146 : memref<1x128xi32, #tpu.memory_space<vmem>> -> memref<128xi32, #tpu.memory_space<vmem>>
        %dma_wait3A_148 = arith.constant 0 : i32
        %dma_wait3A_149 = tpu.memref_slice %arg4[%add3A, %add3A_143, %dma_wait3A_148] : memref<32x104x128xi32, #tpu.memory_space<hbm>> -> memref<1x1x128xi32, #tpu.memory_space<hbm>>
        %dma_wait3A_150 = tpu.memref_squeeze %dma_wait3A_149 : memref<1x1x128xi32, #tpu.memory_space<hbm>> -> memref<128xi32, #tpu.memory_space<hbm>>
        %dma_wait3A_151 = arith.constant 0 : i32
        %dma_wait3A_152 = tpu.memref_slice %arg7[%dma_wait3A_144, %dma_wait3A_151] : memref<2x128xi32, #tpu.memory_space<vmem>> -> memref<1x128xi32, #tpu.memory_space<vmem>>
        %dma_wait3A_153 = tpu.memref_squeeze %dma_wait3A_152 : memref<1x128xi32, #tpu.memory_space<vmem>> -> memref<128xi32, #tpu.memory_space<vmem>>
        %dma_wait3A_154 = arith.constant 0 : i32
        %dma_wait3A_155 = tpu.memref_slice %arg4[%add3A, %add3A_143, %dma_wait3A_154] : memref<32x104x128xi32, #tpu.memory_space<hbm>> -> memref<1x1x128xi32, #tpu.memory_space<hbm>>
        %dma_wait3A_156 = tpu.memref_squeeze %dma_wait3A_155 : memref<1x1x128xi32, #tpu.memory_space<hbm>> -> memref<128xi32, #tpu.memory_space<hbm>>
        tpu.wait_dma2 semaphore(%arg12 : memref<!tpu.dma_semaphore, #tpu.memory_space<semaphore_mem>>) src(%dma_wait3A_156 : memref<128xi32, #tpu.memory_space<hbm>>) dst(%dma_wait3A_153 : memref<128xi32, #tpu.memory_space<vmem>>)
        %add3A_157 = arith.constant 1 : i32
        %add3A_158 = arith.addi %add3A_115, %add3A_157 : i32
        %dma_wait3A_159 = arith.constant 0 : i32
        %dma_wait3A_160 = arith.constant 0 : i32
        %dma_wait3A_161 = tpu.memref_slice %arg8[%dma_wait3A_159, %dma_wait3A_160] : memref<2x128xi32, #tpu.memory_space<vmem>> -> memref<1x128xi32, #tpu.memory_space<vmem>>
        %dma_wait3A_162 = tpu.memref_squeeze %dma_wait3A_161 : memref<1x128xi32, #tpu.memory_space<vmem>> -> memref<128xi32, #tpu.memory_space<vmem>>
        %dma_wait3A_163 = arith.constant 0 : i32
        %dma_wait3A_164 = tpu.memref_slice %arg5[%add3A, %add3A_158, %dma_wait3A_163] : memref<32x104x128xi32, #tpu.memory_space<hbm>> -> memref<1x1x128xi32, #tpu.memory_space<hbm>>
        %dma_wait3A_165 = tpu.memref_squeeze %dma_wait3A_164 : memref<1x1x128xi32, #tpu.memory_space<hbm>> -> memref<128xi32, #tpu.memory_space<hbm>>
        %dma_wait3A_166 = arith.constant 0 : i32
        %dma_wait3A_167 = tpu.memref_slice %arg8[%dma_wait3A_159, %dma_wait3A_166] : memref<2x128xi32, #tpu.memory_space<vmem>> -> memref<1x128xi32, #tpu.memory_space<vmem>>
        %dma_wait3A_168 = tpu.memref_squeeze %dma_wait3A_167 : memref<1x128xi32, #tpu.memory_space<vmem>> -> memref<128xi32, #tpu.memory_space<vmem>>
        %dma_wait3A_169 = arith.constant 0 : i32
        %dma_wait3A_170 = tpu.memref_slice %arg5[%add3A, %add3A_158, %dma_wait3A_169] : memref<32x104x128xi32, #tpu.memory_space<hbm>> -> memref<1x1x128xi32, #tpu.memory_space<hbm>>
        %dma_wait3A_171 = tpu.memref_squeeze %dma_wait3A_170 : memref<1x1x128xi32, #tpu.memory_space<hbm>> -> memref<128xi32, #tpu.memory_space<hbm>>
        tpu.wait_dma2 semaphore(%arg12 : memref<!tpu.dma_semaphore, #tpu.memory_space<semaphore_mem>>) src(%dma_wait3A_171 : memref<128xi32, #tpu.memory_space<hbm>>) dst(%dma_wait3A_168 : memref<128xi32, #tpu.memory_space<vmem>>)
        %dma_start3A_172 = arith.constant 0 : i32
        %dma_start3A_173 = arith.constant 0 : i32
        %dma_start3A_174 = arith.constant 0 : i32
        %dma_start3A_175 = arith.constant 0 : i32
        %dma_start3A_176 = tpu.memref_slice %arg9[%dma_start3A_173, %dma_start3A_174, %dma_start3A_175] : memref<2x128x128xf32, #tpu.memory_space<vmem>> -> memref<1x128x128xf32, #tpu.memory_space<vmem>>
        %dma_start3A_177 = tpu.memref_squeeze %dma_start3A_176 : memref<1x128x128xf32, #tpu.memory_space<vmem>> -> memref<128x128xf32, #tpu.memory_space<vmem>>
        %dma_start3A_178 = arith.constant 0 : i32
        %dma_start3A_179 = tpu.memref_slice %arg7[%dma_start3A_172, %dma_start3A_178] : memref<2x128xi32, #tpu.memory_space<vmem>> -> memref<1x128xi32, #tpu.memory_space<vmem>>
        %dma_start3A_180 = tpu.memref_squeeze %dma_start3A_179 : memref<1x128xi32, #tpu.memory_space<vmem>> -> memref<128xi32, #tpu.memory_space<vmem>>
        %dma_start3A_181 = arith.constant 0 : i32
        %dma_start3A_182 = arith.constant 0 : i32
        %dma_start3A_183 = tpu.memref_slice %arg2[%dma_start3A_181, %dma_start3A_182] : memref<10112x128xf32, #tpu.memory_space<hbm>> -> memref<10112x128xf32, #tpu.memory_space<hbm>>
        tpu.enqueue_indirect_dma source(%dma_start3A_183 : memref<10112x128xf32, #tpu.memory_space<hbm>>) target(%dma_start3A_177 : memref<128x128xf32, #tpu.memory_space<vmem>>) offsets(%dma_start3A_180 : memref<128xi32, #tpu.memory_space<vmem>>) semaphore(%arg11 : memref<!tpu.dma_semaphore, #tpu.memory_space<semaphore_mem>>)
      } else {
      }
      %run_scoped3A_134 = arith.constant 1 : i32
      %run_scoped3A_135 = arith.constant 1 : i32
      "tpu.region"() ({
        %run_scoped3A_142 = tpu.sem_alloc : memref<!tpu.dma_semaphore, #tpu.memory_space<semaphore_mem>>
        %dma_start3A_143 = arith.constant 0 : i32
        %dma_start3A_144 = arith.constant 0 : i32
        %dma_start3A_145 = tpu.memref_slice %arg9[%run_scoped3A_134, %dma_start3A_143, %dma_start3A_144] : memref<2x128x128xf32, #tpu.memory_space<vmem>> -> memref<1x128x128xf32, #tpu.memory_space<vmem>>
        %dma_start3A_146 = tpu.memref_squeeze %dma_start3A_145 : memref<1x128x128xf32, #tpu.memory_space<vmem>> -> memref<128x128xf32, #tpu.memory_space<vmem>>
        %dma_start3A_147 = arith.constant 0 : i32
        %dma_start3A_148 = tpu.memref_slice %arg8[%run_scoped3A_135, %dma_start3A_147] : memref<2x128xi32, #tpu.memory_space<vmem>> -> memref<1x128xi32, #tpu.memory_space<vmem>>
        %dma_start3A_149 = tpu.memref_squeeze %dma_start3A_148 : memref<1x128xi32, #tpu.memory_space<vmem>> -> memref<128xi32, #tpu.memory_space<vmem>>
        %dma_start3A_150 = arith.constant 0 : i32
        %dma_start3A_151 = arith.constant 0 : i32
        %dma_start3A_152 = tpu.memref_slice %arg10[%dma_start3A_150, %dma_start3A_151] : memref<10112x128xf32, #tpu.memory_space<vmem_shared>> -> memref<10112x128xf32, #tpu.memory_space<vmem_shared>>
        tpu.enqueue_indirect_dma source(%dma_start3A_146 : memref<128x128xf32, #tpu.memory_space<vmem>>) target(%dma_start3A_152 : memref<10112x128xf32, #tpu.memory_space<vmem_shared>>) offsets(%dma_start3A_149 : memref<128xi32, #tpu.memory_space<vmem>>) semaphore(%run_scoped3A_142 : memref<!tpu.dma_semaphore, #tpu.memory_space<semaphore_mem>>) {add = true}
        %dma_wait3A_153 = arith.constant 0 : i32
        %dma_wait3A_154 = arith.constant 0 : i32
        %dma_wait3A_155 = tpu.memref_slice %arg9[%run_scoped3A_134, %dma_wait3A_153, %dma_wait3A_154] : memref<2x128x128xf32, #tpu.memory_space<vmem>> -> memref<1x128x128xf32, #tpu.memory_space<vmem>>
        %dma_wait3A_156 = tpu.memref_squeeze %dma_wait3A_155 : memref<1x128x128xf32, #tpu.memory_space<vmem>> -> memref<128x128xf32, #tpu.memory_space<vmem>>
        %dma_wait3A_157 = arith.constant 0 : i32
        %dma_wait3A_158 = tpu.memref_slice %arg8[%run_scoped3A_135, %dma_wait3A_157] : memref<2x128xi32, #tpu.memory_space<vmem>> -> memref<1x128xi32, #tpu.memory_space<vmem>>
        %dma_wait3A_159 = tpu.memref_squeeze %dma_wait3A_158 : memref<1x128xi32, #tpu.memory_space<vmem>> -> memref<128xi32, #tpu.memory_space<vmem>>
        %dma_wait3A_160 = arith.constant 0 : i32
        %dma_wait3A_161 = arith.constant 0 : i32
        %dma_wait3A_162 = tpu.memref_slice %arg10[%dma_wait3A_160, %dma_wait3A_161] : memref<10112x128xf32, #tpu.memory_space<vmem_shared>> -> memref<10112x128xf32, #tpu.memory_space<vmem_shared>>
        tpu.wait_indirect_dma semaphore(%run_scoped3A_142 : memref<!tpu.dma_semaphore, #tpu.memory_space<semaphore_mem>>) src(%dma_wait3A_156 : memref<128x128xf32, #tpu.memory_space<vmem>>) dst(%dma_wait3A_162 : memref<10112x128xf32, #tpu.memory_space<vmem_shared>>)
        tpu.yield
      }) : () -> ()
      %add3A_136 = arith.constant 2 : i32
      %add3A_137 = arith.addi %add3A_115, %add3A_136 : i32
      %lt3A_138 = arith.cmpi slt, %add3A_137, %select_n3A_5 : i32
      %convert_element_type3A_139 = arith.extui %lt3A_138 : i1 to i32
      %cond3A_140 = arith.constant 0 : i32
      %cond3A_141 = arith.cmpi ne, %convert_element_type3A_139, %cond3A_140 : i32
      scf.if %cond3A_141 {
        %add3A_142 = arith.constant 2 : i32
        %add3A_143 = arith.addi %add3A_115, %add3A_142 : i32
        %dma_start3A_144 = arith.constant 1 : i32
        %dma_start3A_145 = arith.constant 0 : i32
        %dma_start3A_146 = tpu.memref_slice %arg7[%dma_start3A_144, %dma_start3A_145] : memref<2x128xi32, #tpu.memory_space<vmem>> -> memref<1x128xi32, #tpu.memory_space<vmem>>
        %dma_start3A_147 = tpu.memref_squeeze %dma_start3A_146 : memref<1x128xi32, #tpu.memory_space<vmem>> -> memref<128xi32, #tpu.memory_space<vmem>>
        %dma_start3A_148 = arith.constant 0 : i32
        %dma_start3A_149 = tpu.memref_slice %arg4[%add3A, %add3A_143, %dma_start3A_148] : memref<32x104x128xi32, #tpu.memory_space<hbm>> -> memref<1x1x128xi32, #tpu.memory_space<hbm>>
        %dma_start3A_150 = tpu.memref_squeeze %dma_start3A_149 : memref<1x1x128xi32, #tpu.memory_space<hbm>> -> memref<128xi32, #tpu.memory_space<hbm>>
        %dma_start3A_151 = arith.constant 0 : i32
        %dma_start3A_152 = tpu.memref_slice %arg7[%dma_start3A_144, %dma_start3A_151] : memref<2x128xi32, #tpu.memory_space<vmem>> -> memref<1x128xi32, #tpu.memory_space<vmem>>
        %dma_start3A_153 = tpu.memref_squeeze %dma_start3A_152 : memref<1x128xi32, #tpu.memory_space<vmem>> -> memref<128xi32, #tpu.memory_space<vmem>>
        %dma_start3A_154 = arith.constant 0 : i32
        %dma_start3A_155 = tpu.memref_slice %arg4[%add3A, %add3A_143, %dma_start3A_154] : memref<32x104x128xi32, #tpu.memory_space<hbm>> -> memref<1x1x128xi32, #tpu.memory_space<hbm>>
        %dma_start3A_156 = tpu.memref_squeeze %dma_start3A_155 : memref<1x1x128xi32, #tpu.memory_space<hbm>> -> memref<128xi32, #tpu.memory_space<hbm>>
        tpu.enqueue_dma source(%dma_start3A_156 : memref<128xi32, #tpu.memory_space<hbm>>) target(%dma_start3A_153 : memref<128xi32, #tpu.memory_space<vmem>>) target_semaphore(%arg12 : memref<!tpu.dma_semaphore, #tpu.memory_space<semaphore_mem>>)
        %add3A_157 = arith.constant 2 : i32
        %add3A_158 = arith.addi %add3A_115, %add3A_157 : i32
        %dma_start3A_159 = arith.constant 1 : i32
        %dma_start3A_160 = arith.constant 0 : i32
        %dma_start3A_161 = tpu.memref_slice %arg8[%dma_start3A_159, %dma_start3A_160] : memref<2x128xi32, #tpu.memory_space<vmem>> -> memref<1x128xi32, #tpu.memory_space<vmem>>
        %dma_start3A_162 = tpu.memref_squeeze %dma_start3A_161 : memref<1x128xi32, #tpu.memory_space<vmem>> -> memref<128xi32, #tpu.memory_space<vmem>>
        %dma_start3A_163 = arith.constant 0 : i32
        %dma_start3A_164 = tpu.memref_slice %arg5[%add3A, %add3A_158, %dma_start3A_163] : memref<32x104x128xi32, #tpu.memory_space<hbm>> -> memref<1x1x128xi32, #tpu.memory_space<hbm>>
        %dma_start3A_165 = tpu.memref_squeeze %dma_start3A_164 : memref<1x1x128xi32, #tpu.memory_space<hbm>> -> memref<128xi32, #tpu.memory_space<hbm>>
        %dma_start3A_166 = arith.constant 0 : i32
        %dma_start3A_167 = tpu.memref_slice %arg8[%dma_start3A_159, %dma_start3A_166] : memref<2x128xi32, #tpu.memory_space<vmem>> -> memref<1x128xi32, #tpu.memory_space<vmem>>
        %dma_start3A_168 = tpu.memref_squeeze %dma_start3A_167 : memref<1x128xi32, #tpu.memory_space<vmem>> -> memref<128xi32, #tpu.memory_space<vmem>>
        %dma_start3A_169 = arith.constant 0 : i32
        %dma_start3A_170 = tpu.memref_slice %arg5[%add3A, %add3A_158, %dma_start3A_169] : memref<32x104x128xi32, #tpu.memory_space<hbm>> -> memref<1x1x128xi32, #tpu.memory_space<hbm>>
        %dma_start3A_171 = tpu.memref_squeeze %dma_start3A_170 : memref<1x1x128xi32, #tpu.memory_space<hbm>> -> memref<128xi32, #tpu.memory_space<hbm>>
        tpu.enqueue_dma source(%dma_start3A_171 : memref<128xi32, #tpu.memory_space<hbm>>) target(%dma_start3A_168 : memref<128xi32, #tpu.memory_space<vmem>>) target_semaphore(%arg12 : memref<!tpu.dma_semaphore, #tpu.memory_space<semaphore_mem>>)
      } else {
      }
    }
    %while3A_81 = arith.constant 1 : i32
    scf.for %while3A_83 = %while3A_79 to %while3A_75 step %while3A_81  : i32 {
      %mul3A_84 = arith.constant 2 : i32
      %mul3A_85 = arith.muli %mul3A_84, %while3A_83 : i32
      %add3A_86 = arith.constant 0 : i32
      %add3A_87 = arith.addi %mul3A_85, %add3A_86 : i32
      %dma_wait3A = arith.constant 0 : i32
      %dma_wait3A_88 = arith.constant 0 : i32
      %dma_wait3A_89 = arith.constant 0 : i32
      %dma_wait3A_90 = arith.constant 0 : i32
      %dma_wait3A_91 = tpu.memref_slice %arg9[%dma_wait3A_88, %dma_wait3A_89, %dma_wait3A_90] : memref<2x128x128xf32, #tpu.memory_space<vmem>> -> memref<1x128x128xf32, #tpu.memory_space<vmem>>
      %dma_wait3A_92 = tpu.memref_squeeze %dma_wait3A_91 : memref<1x128x128xf32, #tpu.memory_space<vmem>> -> memref<128x128xf32, #tpu.memory_space<vmem>>
      %dma_wait3A_93 = arith.constant 0 : i32
      %dma_wait3A_94 = tpu.memref_slice %arg7[%dma_wait3A, %dma_wait3A_93] : memref<2x128xi32, #tpu.memory_space<vmem>> -> memref<1x128xi32, #tpu.memory_space<vmem>>
      %dma_wait3A_95 = tpu.memref_squeeze %dma_wait3A_94 : memref<1x128xi32, #tpu.memory_space<vmem>> -> memref<128xi32, #tpu.memory_space<vmem>>
      %dma_wait3A_96 = arith.constant 0 : i32
      %dma_wait3A_97 = arith.constant 0 : i32
      %dma_wait3A_98 = tpu.memref_slice %arg2[%dma_wait3A_96, %dma_wait3A_97] : memref<10112x128xf32, #tpu.memory_space<hbm>> -> memref<10112x128xf32, #tpu.memory_space<hbm>>
      tpu.wait_indirect_dma semaphore(%arg11 : memref<!tpu.dma_semaphore, #tpu.memory_space<semaphore_mem>>) src(%dma_wait3A_98 : memref<10112x128xf32, #tpu.memory_space<hbm>>) dst(%dma_wait3A_92 : memref<128x128xf32, #tpu.memory_space<vmem>>)
      %add3A_99 = arith.constant 1 : i32
      %add3A_100 = arith.addi %add3A_87, %add3A_99 : i32
      %lt3A = arith.cmpi slt, %add3A_100, %select_n3A_5 : i32
      %convert_element_type3A_101 = arith.extui %lt3A : i1 to i32
      %cond3A_102 = arith.constant 0 : i32
      %cond3A_103 = arith.cmpi ne, %convert_element_type3A_101, %cond3A_102 : i32
      scf.if %cond3A_103 {
        %add3A_142 = arith.constant 1 : i32
        %add3A_143 = arith.addi %add3A_87, %add3A_142 : i32
        %dma_wait3A_144 = arith.constant 1 : i32
        %dma_wait3A_145 = arith.constant 0 : i32
        %dma_wait3A_146 = tpu.memref_slice %arg7[%dma_wait3A_144, %dma_wait3A_145] : memref<2x128xi32, #tpu.memory_space<vmem>> -> memref<1x128xi32, #tpu.memory_space<vmem>>
        %dma_wait3A_147 = tpu.memref_squeeze %dma_wait3A_146 : memref<1x128xi32, #tpu.memory_space<vmem>> -> memref<128xi32, #tpu.memory_space<vmem>>
        %dma_wait3A_148 = arith.constant 0 : i32
        %dma_wait3A_149 = tpu.memref_slice %arg4[%add3A, %add3A_143, %dma_wait3A_148] : memref<32x104x128xi32, #tpu.memory_space<hbm>> -> memref<1x1x128xi32, #tpu.memory_space<hbm>>
        %dma_wait3A_150 = tpu.memref_squeeze %dma_wait3A_149 : memref<1x1x128xi32, #tpu.memory_space<hbm>> -> memref<128xi32, #tpu.memory_space<hbm>>
        %dma_wait3A_151 = arith.constant 0 : i32
        %dma_wait3A_152 = tpu.memref_slice %arg7[%dma_wait3A_144, %dma_wait3A_151] : memref<2x128xi32, #tpu.memory_space<vmem>> -> memref<1x128xi32, #tpu.memory_space<vmem>>
        %dma_wait3A_153 = tpu.memref_squeeze %dma_wait3A_152 : memref<1x128xi32, #tpu.memory_space<vmem>> -> memref<128xi32, #tpu.memory_space<vmem>>
        %dma_wait3A_154 = arith.constant 0 : i32
        %dma_wait3A_155 = tpu.memref_slice %arg4[%add3A, %add3A_143, %dma_wait3A_154] : memref<32x104x128xi32, #tpu.memory_space<hbm>> -> memref<1x1x128xi32, #tpu.memory_space<hbm>>
        %dma_wait3A_156 = tpu.memref_squeeze %dma_wait3A_155 : memref<1x1x128xi32, #tpu.memory_space<hbm>> -> memref<128xi32, #tpu.memory_space<hbm>>
        tpu.wait_dma2 semaphore(%arg12 : memref<!tpu.dma_semaphore, #tpu.memory_space<semaphore_mem>>) src(%dma_wait3A_156 : memref<128xi32, #tpu.memory_space<hbm>>) dst(%dma_wait3A_153 : memref<128xi32, #tpu.memory_space<vmem>>)
        %add3A_157 = arith.constant 1 : i32
        %add3A_158 = arith.addi %add3A_87, %add3A_157 : i32
        %dma_wait3A_159 = arith.constant 1 : i32
        %dma_wait3A_160 = arith.constant 0 : i32
        %dma_wait3A_161 = tpu.memref_slice %arg8[%dma_wait3A_159, %dma_wait3A_160] : memref<2x128xi32, #tpu.memory_space<vmem>> -> memref<1x128xi32, #tpu.memory_space<vmem>>
        %dma_wait3A_162 = tpu.memref_squeeze %dma_wait3A_161 : memref<1x128xi32, #tpu.memory_space<vmem>> -> memref<128xi32, #tpu.memory_space<vmem>>
        %dma_wait3A_163 = arith.constant 0 : i32
        %dma_wait3A_164 = tpu.memref_slice %arg5[%add3A, %add3A_158, %dma_wait3A_163] : memref<32x104x128xi32, #tpu.memory_space<hbm>> -> memref<1x1x128xi32, #tpu.memory_space<hbm>>
        %dma_wait3A_165 = tpu.memref_squeeze %dma_wait3A_164 : memref<1x1x128xi32, #tpu.memory_space<hbm>> -> memref<128xi32, #tpu.memory_space<hbm>>
        %dma_wait3A_166 = arith.constant 0 : i32
        %dma_wait3A_167 = tpu.memref_slice %arg8[%dma_wait3A_159, %dma_wait3A_166] : memref<2x128xi32, #tpu.memory_space<vmem>> -> memref<1x128xi32, #tpu.memory_space<vmem>>
        %dma_wait3A_168 = tpu.memref_squeeze %dma_wait3A_167 : memref<1x128xi32, #tpu.memory_space<vmem>> -> memref<128xi32, #tpu.memory_space<vmem>>
        %dma_wait3A_169 = arith.constant 0 : i32
        %dma_wait3A_170 = tpu.memref_slice %arg5[%add3A, %add3A_158, %dma_wait3A_169] : memref<32x104x128xi32, #tpu.memory_space<hbm>> -> memref<1x1x128xi32, #tpu.memory_space<hbm>>
        %dma_wait3A_171 = tpu.memref_squeeze %dma_wait3A_170 : memref<1x1x128xi32, #tpu.memory_space<hbm>> -> memref<128xi32, #tpu.memory_space<hbm>>
        tpu.wait_dma2 semaphore(%arg12 : memref<!tpu.dma_semaphore, #tpu.memory_space<semaphore_mem>>) src(%dma_wait3A_171 : memref<128xi32, #tpu.memory_space<hbm>>) dst(%dma_wait3A_168 : memref<128xi32, #tpu.memory_space<vmem>>)
        %dma_start3A_172 = arith.constant 1 : i32
        %dma_start3A_173 = arith.constant 1 : i32
        %dma_start3A_174 = arith.constant 0 : i32
        %dma_start3A_175 = arith.constant 0 : i32
        %dma_start3A_176 = tpu.memref_slice %arg9[%dma_start3A_173, %dma_start3A_174, %dma_start3A_175] : memref<2x128x128xf32, #tpu.memory_space<vmem>> -> memref<1x128x128xf32, #tpu.memory_space<vmem>>
        %dma_start3A_177 = tpu.memref_squeeze %dma_start3A_176 : memref<1x128x128xf32, #tpu.memory_space<vmem>> -> memref<128x128xf32, #tpu.memory_space<vmem>>
        %dma_start3A_178 = arith.constant 0 : i32
        %dma_start3A_179 = tpu.memref_slice %arg7[%dma_start3A_172, %dma_start3A_178] : memref<2x128xi32, #tpu.memory_space<vmem>> -> memref<1x128xi32, #tpu.memory_space<vmem>>
        %dma_start3A_180 = tpu.memref_squeeze %dma_start3A_179 : memref<1x128xi32, #tpu.memory_space<vmem>> -> memref<128xi32, #tpu.memory_space<vmem>>
        %dma_start3A_181 = arith.constant 0 : i32
        %dma_start3A_182 = arith.constant 0 : i32
        %dma_start3A_183 = tpu.memref_slice %arg2[%dma_start3A_181, %dma_start3A_182] : memref<10112x128xf32, #tpu.memory_space<hbm>> -> memref<10112x128xf32, #tpu.memory_space<hbm>>
        tpu.enqueue_indirect_dma source(%dma_start3A_183 : memref<10112x128xf32, #tpu.memory_space<hbm>>) target(%dma_start3A_177 : memref<128x128xf32, #tpu.memory_space<vmem>>) offsets(%dma_start3A_180 : memref<128xi32, #tpu.memory_space<vmem>>) semaphore(%arg11 : memref<!tpu.dma_semaphore, #tpu.memory_space<semaphore_mem>>)
      } else {
      }
      %run_scoped3A_104 = arith.constant 0 : i32
      %run_scoped3A_105 = arith.constant 0 : i32
      "tpu.region"() ({
        %run_scoped3A_142 = tpu.sem_alloc : memref<!tpu.dma_semaphore, #tpu.memory_space<semaphore_mem>>
        %dma_start3A_143 = arith.constant 0 : i32
        %dma_start3A_144 = arith.constant 0 : i32
        %dma_start3A_145 = tpu.memref_slice %arg9[%run_scoped3A_104, %dma_start3A_143, %dma_start3A_144] : memref<2x128x128xf32, #tpu.memory_space<vmem>> -> memref<1x128x128xf32, #tpu.memory_space<vmem>>
        %dma_start3A_146 = tpu.memref_squeeze %dma_start3A_145 : memref<1x128x128xf32, #tpu.memory_space<vmem>> -> memref<128x128xf32, #tpu.memory_space<vmem>>
        %dma_start3A_147 = arith.constant 0 : i32
        %dma_start3A_148 = tpu.memref_slice %arg8[%run_scoped3A_105, %dma_start3A_147] : memref<2x128xi32, #tpu.memory_space<vmem>> -> memref<1x128xi32, #tpu.memory_space<vmem>>
        %dma_start3A_149 = tpu.memref_squeeze %dma_start3A_148 : memref<1x128xi32, #tpu.memory_space<vmem>> -> memref<128xi32, #tpu.memory_space<vmem>>
        %dma_start3A_150 = arith.constant 0 : i32
        %dma_start3A_151 = arith.constant 0 : i32
        %dma_start3A_152 = tpu.memref_slice %arg10[%dma_start3A_150, %dma_start3A_151] : memref<10112x128xf32, #tpu.memory_space<vmem_shared>> -> memref<10112x128xf32, #tpu.memory_space<vmem_shared>>
        tpu.enqueue_indirect_dma source(%dma_start3A_146 : memref<128x128xf32, #tpu.memory_space<vmem>>) target(%dma_start3A_152 : memref<10112x128xf32, #tpu.memory_space<vmem_shared>>) offsets(%dma_start3A_149 : memref<128xi32, #tpu.memory_space<vmem>>) semaphore(%run_scoped3A_142 : memref<!tpu.dma_semaphore, #tpu.memory_space<semaphore_mem>>) {add = true}
        %dma_wait3A_153 = arith.constant 0 : i32
        %dma_wait3A_154 = arith.constant 0 : i32
        %dma_wait3A_155 = tpu.memref_slice %arg9[%run_scoped3A_104, %dma_wait3A_153, %dma_wait3A_154] : memref<2x128x128xf32, #tpu.memory_space<vmem>> -> memref<1x128x128xf32, #tpu.memory_space<vmem>>
        %dma_wait3A_156 = tpu.memref_squeeze %dma_wait3A_155 : memref<1x128x128xf32, #tpu.memory_space<vmem>> -> memref<128x128xf32, #tpu.memory_space<vmem>>
        %dma_wait3A_157 = arith.constant 0 : i32
        %dma_wait3A_158 = tpu.memref_slice %arg8[%run_scoped3A_105, %dma_wait3A_157] : memref<2x128xi32, #tpu.memory_space<vmem>> -> memref<1x128xi32, #tpu.memory_space<vmem>>
        %dma_wait3A_159 = tpu.memref_squeeze %dma_wait3A_158 : memref<1x128xi32, #tpu.memory_space<vmem>> -> memref<128xi32, #tpu.memory_space<vmem>>
        %dma_wait3A_160 = arith.constant 0 : i32
        %dma_wait3A_161 = arith.constant 0 : i32
        %dma_wait3A_162 = tpu.memref_slice %arg10[%dma_wait3A_160, %dma_wait3A_161] : memref<10112x128xf32, #tpu.memory_space<vmem_shared>> -> memref<10112x128xf32, #tpu.memory_space<vmem_shared>>
        tpu.wait_indirect_dma semaphore(%run_scoped3A_142 : memref<!tpu.dma_semaphore, #tpu.memory_space<semaphore_mem>>) src(%dma_wait3A_156 : memref<128x128xf32, #tpu.memory_space<vmem>>) dst(%dma_wait3A_162 : memref<10112x128xf32, #tpu.memory_space<vmem_shared>>)
        tpu.yield
      }) : () -> ()
      %add3A_106 = arith.constant 2 : i32
      %add3A_107 = arith.addi %add3A_87, %add3A_106 : i32
      %lt3A_108 = arith.cmpi slt, %add3A_107, %select_n3A_5 : i32
      %convert_element_type3A_109 = arith.extui %lt3A_108 : i1 to i32
      %cond3A_110 = arith.constant 0 : i32
      %cond3A_111 = arith.cmpi ne, %convert_element_type3A_109, %cond3A_110 : i32
      scf.if %cond3A_111 {
        %add3A_142 = arith.constant 2 : i32
        %add3A_143 = arith.addi %add3A_87, %add3A_142 : i32
        %dma_start3A_144 = arith.constant 0 : i32
        %dma_start3A_145 = arith.constant 0 : i32
        %dma_start3A_146 = tpu.memref_slice %arg7[%dma_start3A_144, %dma_start3A_145] : memref<2x128xi32, #tpu.memory_space<vmem>> -> memref<1x128xi32, #tpu.memory_space<vmem>>
        %dma_start3A_147 = tpu.memref_squeeze %dma_start3A_146 : memref<1x128xi32, #tpu.memory_space<vmem>> -> memref<128xi32, #tpu.memory_space<vmem>>
        %dma_start3A_148 = arith.constant 0 : i32
        %dma_start3A_149 = tpu.memref_slice %arg4[%add3A, %add3A_143, %dma_start3A_148] : memref<32x104x128xi32, #tpu.memory_space<hbm>> -> memref<1x1x128xi32, #tpu.memory_space<hbm>>
        %dma_start3A_150 = tpu.memref_squeeze %dma_start3A_149 : memref<1x1x128xi32, #tpu.memory_space<hbm>> -> memref<128xi32, #tpu.memory_space<hbm>>
        %dma_start3A_151 = arith.constant 0 : i32
        %dma_start3A_152 = tpu.memref_slice %arg7[%dma_start3A_144, %dma_start3A_151] : memref<2x128xi32, #tpu.memory_space<vmem>> -> memref<1x128xi32, #tpu.memory_space<vmem>>
        %dma_start3A_153 = tpu.memref_squeeze %dma_start3A_152 : memref<1x128xi32, #tpu.memory_space<vmem>> -> memref<128xi32, #tpu.memory_space<vmem>>
        %dma_start3A_154 = arith.constant 0 : i32
        %dma_start3A_155 = tpu.memref_slice %arg4[%add3A, %add3A_143, %dma_start3A_154] : memref<32x104x128xi32, #tpu.memory_space<hbm>> -> memref<1x1x128xi32, #tpu.memory_space<hbm>>
        %dma_start3A_156 = tpu.memref_squeeze %dma_start3A_155 : memref<1x1x128xi32, #tpu.memory_space<hbm>> -> memref<128xi32, #tpu.memory_space<hbm>>
        tpu.enqueue_dma source(%dma_start3A_156 : memref<128xi32, #tpu.memory_space<hbm>>) target(%dma_start3A_153 : memref<128xi32, #tpu.memory_space<vmem>>) target_semaphore(%arg12 : memref<!tpu.dma_semaphore, #tpu.memory_space<semaphore_mem>>)
        %add3A_157 = arith.constant 2 : i32
        %add3A_158 = arith.addi %add3A_87, %add3A_157 : i32
        %dma_start3A_159 = arith.constant 0 : i32
        %dma_start3A_160 = arith.constant 0 : i32
        %dma_start3A_161 = tpu.memref_slice %arg8[%dma_start3A_159, %dma_start3A_160] : memref<2x128xi32, #tpu.memory_space<vmem>> -> memref<1x128xi32, #tpu.memory_space<vmem>>
        %dma_start3A_162 = tpu.memref_squeeze %dma_start3A_161 : memref<1x128xi32, #tpu.memory_space<vmem>> -> memref<128xi32, #tpu.memory_space<vmem>>
        %dma_start3A_163 = arith.constant 0 : i32
        %dma_start3A_164 = tpu.memref_slice %arg5[%add3A, %add3A_158, %dma_start3A_163] : memref<32x104x128xi32, #tpu.memory_space<hbm>> -> memref<1x1x128xi32, #tpu.memory_space<hbm>>
        %dma_start3A_165 = tpu.memref_squeeze %dma_start3A_164 : memref<1x1x128xi32, #tpu.memory_space<hbm>> -> memref<128xi32, #tpu.memory_space<hbm>>
        %dma_start3A_166 = arith.constant 0 : i32
        %dma_start3A_167 = tpu.memref_slice %arg8[%dma_start3A_159, %dma_start3A_166] : memref<2x128xi32, #tpu.memory_space<vmem>> -> memref<1x128xi32, #tpu.memory_space<vmem>>
        %dma_start3A_168 = tpu.memref_squeeze %dma_start3A_167 : memref<1x128xi32, #tpu.memory_space<vmem>> -> memref<128xi32, #tpu.memory_space<vmem>>
        %dma_start3A_169 = arith.constant 0 : i32
        %dma_start3A_170 = tpu.memref_slice %arg5[%add3A, %add3A_158, %dma_start3A_169] : memref<32x104x128xi32, #tpu.memory_space<hbm>> -> memref<1x1x128xi32, #tpu.memory_space<hbm>>
        %dma_start3A_171 = tpu.memref_squeeze %dma_start3A_170 : memref<1x1x128xi32, #tpu.memory_space<hbm>> -> memref<128xi32, #tpu.memory_space<hbm>>
        tpu.enqueue_dma source(%dma_start3A_171 : memref<128xi32, #tpu.memory_space<hbm>>) target(%dma_start3A_168 : memref<128xi32, #tpu.memory_space<vmem>>) target_semaphore(%arg12 : memref<!tpu.dma_semaphore, #tpu.memory_space<semaphore_mem>>)
      } else {
      }
      %mul3A_112 = arith.constant 2 : i32
      %mul3A_113 = arith.muli %mul3A_112, %while3A_83 : i32
      %add3A_114 = arith.constant 1 : i32
      %add3A_115 = arith.addi %mul3A_113, %add3A_114 : i32
      %dma_wait3A_116 = arith.constant 1 : i32
      %dma_wait3A_117 = arith.constant 1 : i32
      %dma_wait3A_118 = arith.constant 0 : i32
      %dma_wait3A_119 = arith.constant 0 : i32
      %dma_wait3A_120 = tpu.memref_slice %arg9[%dma_wait3A_117, %dma_wait3A_118, %dma_wait3A_119] : memref<2x128x128xf32, #tpu.memory_space<vmem>> -> memref<1x128x128xf32, #tpu.memory_space<vmem>>
      %dma_wait3A_121 = tpu.memref_squeeze %dma_wait3A_120 : memref<1x128x128xf32, #tpu.memory_space<vmem>> -> memref<128x128xf32, #tpu.memory_space<vmem>>
      %dma_wait3A_122 = arith.constant 0 : i32
      %dma_wait3A_123 = tpu.memref_slice %arg7[%dma_wait3A_116, %dma_wait3A_122] : memref<2x128xi32, #tpu.memory_space<vmem>> -> memref<1x128xi32, #tpu.memory_space<vmem>>
      %dma_wait3A_124 = tpu.memref_squeeze %dma_wait3A_123 : memref<1x128xi32, #tpu.memory_space<vmem>> -> memref<128xi32, #tpu.memory_space<vmem>>
      %dma_wait3A_125 = arith.constant 0 : i32
      %dma_wait3A_126 = arith.constant 0 : i32
      %dma_wait3A_127 = tpu.memref_slice %arg2[%dma_wait3A_125, %dma_wait3A_126] : memref<10112x128xf32, #tpu.memory_space<hbm>> -> memref<10112x128xf32, #tpu.memory_space<hbm>>
      tpu.wait_indirect_dma semaphore(%arg11 : memref<!tpu.dma_semaphore, #tpu.memory_space<semaphore_mem>>) src(%dma_wait3A_127 : memref<10112x128xf32, #tpu.memory_space<hbm>>) dst(%dma_wait3A_121 : memref<128x128xf32, #tpu.memory_space<vmem>>)
      %add3A_128 = arith.constant 1 : i32
      %add3A_129 = arith.addi %add3A_115, %add3A_128 : i32
      %lt3A_130 = arith.cmpi slt, %add3A_129, %select_n3A_5 : i32
      %convert_element_type3A_131 = arith.extui %lt3A_130 : i1 to i32
      %cond3A_132 = arith.constant 0 : i32
      %cond3A_133 = arith.cmpi ne, %convert_element_type3A_131, %cond3A_132 : i32
      scf.if %cond3A_133 {
        %add3A_142 = arith.constant 1 : i32
        %add3A_143 = arith.addi %add3A_115, %add3A_142 : i32
        %dma_wait3A_144 = arith.constant 0 : i32
        %dma_wait3A_145 = arith.constant 0 : i32
        %dma_wait3A_146 = tpu.memref_slice %arg7[%dma_wait3A_144, %dma_wait3A_145] : memref<2x128xi32, #tpu.memory_space<vmem>> -> memref<1x128xi32, #tpu.memory_space<vmem>>
        %dma_wait3A_147 = tpu.memref_squeeze %dma_wait3A_146 : memref<1x128xi32, #tpu.memory_space<vmem>> -> memref<128xi32, #tpu.memory_space<vmem>>
        %dma_wait3A_148 = arith.constant 0 : i32
        %dma_wait3A_149 = tpu.memref_slice %arg4[%add3A, %add3A_143, %dma_wait3A_148] : memref<32x104x128xi32, #tpu.memory_space<hbm>> -> memref<1x1x128xi32, #tpu.memory_space<hbm>>
        %dma_wait3A_150 = tpu.memref_squeeze %dma_wait3A_149 : memref<1x1x128xi32, #tpu.memory_space<hbm>> -> memref<128xi32, #tpu.memory_space<hbm>>
        %dma_wait3A_151 = arith.constant 0 : i32
        %dma_wait3A_152 = tpu.memref_slice %arg7[%dma_wait3A_144, %dma_wait3A_151] : memref<2x128xi32, #tpu.memory_space<vmem>> -> memref<1x128xi32, #tpu.memory_space<vmem>>
        %dma_wait3A_153 = tpu.memref_squeeze %dma_wait3A_152 : memref<1x128xi32, #tpu.memory_space<vmem>> -> memref<128xi32, #tpu.memory_space<vmem>>
        %dma_wait3A_154 = arith.constant 0 : i32
        %dma_wait3A_155 = tpu.memref_slice %arg4[%add3A, %add3A_143, %dma_wait3A_154] : memref<32x104x128xi32, #tpu.memory_space<hbm>> -> memref<1x1x128xi32, #tpu.memory_space<hbm>>
        %dma_wait3A_156 = tpu.memref_squeeze %dma_wait3A_155 : memref<1x1x128xi32, #tpu.memory_space<hbm>> -> memref<128xi32, #tpu.memory_space<hbm>>
        tpu.wait_dma2 semaphore(%arg12 : memref<!tpu.dma_semaphore, #tpu.memory_space<semaphore_mem>>) src(%dma_wait3A_156 : memref<128xi32, #tpu.memory_space<hbm>>) dst(%dma_wait3A_153 : memref<128xi32, #tpu.memory_space<vmem>>)
        %add3A_157 = arith.constant 1 : i32
        %add3A_158 = arith.addi %add3A_115, %add3A_157 : i32
        %dma_wait3A_159 = arith.constant 0 : i32
        %dma_wait3A_160 = arith.constant 0 : i32
        %dma_wait3A_161 = tpu.memref_slice %arg8[%dma_wait3A_159, %dma_wait3A_160] : memref<2x128xi32, #tpu.memory_space<vmem>> -> memref<1x128xi32, #tpu.memory_space<vmem>>
        %dma_wait3A_162 = tpu.memref_squeeze %dma_wait3A_161 : memref<1x128xi32, #tpu.memory_space<vmem>> -> memref<128xi32, #tpu.memory_space<vmem>>
        %dma_wait3A_163 = arith.constant 0 : i32
        %dma_wait3A_164 = tpu.memref_slice %arg5[%add3A, %add3A_158, %dma_wait3A_163] : memref<32x104x128xi32, #tpu.memory_space<hbm>> -> memref<1x1x128xi32, #tpu.memory_space<hbm>>
        %dma_wait3A_165 = tpu.memref_squeeze %dma_wait3A_164 : memref<1x1x128xi32, #tpu.memory_space<hbm>> -> memref<128xi32, #tpu.memory_space<hbm>>
        %dma_wait3A_166 = arith.constant 0 : i32
        %dma_wait3A_167 = tpu.memref_slice %arg8[%dma_wait3A_159, %dma_wait3A_166] : memref<2x128xi32, #tpu.memory_space<vmem>> -> memref<1x128xi32, #tpu.memory_space<vmem>>
        %dma_wait3A_168 = tpu.memref_squeeze %dma_wait3A_167 : memref<1x128xi32, #tpu.memory_space<vmem>> -> memref<128xi32, #tpu.memory_space<vmem>>
        %dma_wait3A_169 = arith.constant 0 : i32
        %dma_wait3A_170 = tpu.memref_slice %arg5[%add3A, %add3A_158, %dma_wait3A_169] : memref<32x104x128xi32, #tpu.memory_space<hbm>> -> memref<1x1x128xi32, #tpu.memory_space<hbm>>
        %dma_wait3A_171 = tpu.memref_squeeze %dma_wait3A_170 : memref<1x1x128xi32, #tpu.memory_space<hbm>> -> memref<128xi32, #tpu.memory_space<hbm>>
        tpu.wait_dma2 semaphore(%arg12 : memref<!tpu.dma_semaphore, #tpu.memory_space<semaphore_mem>>) src(%dma_wait3A_171 : memref<128xi32, #tpu.memory_space<hbm>>) dst(%dma_wait3A_168 : memref<128xi32, #tpu.memory_space<vmem>>)
        %dma_start3A_172 = arith.constant 0 : i32
        %dma_start3A_173 = arith.constant 0 : i32
        %dma_start3A_174 = arith.constant 0 : i32
        %dma_start3A_175 = arith.constant 0 : i32
        %dma_start3A_176 = tpu.memref_slice %arg9[%dma_start3A_173, %dma_start3A_174, %dma_start3A_175] : memref<2x128x128xf32, #tpu.memory_space<vmem>> -> memref<1x128x128xf32, #tpu.memory_space<vmem>>
        %dma_start3A_177 = tpu.memref_squeeze %dma_start3A_176 : memref<1x128x128xf32, #tpu.memory_space<vmem>> -> memref<128x128xf32, #tpu.memory_space<vmem>>
        %dma_start3A_178 = arith.constant 0 : i32
        %dma_start3A_179 = tpu.memref_slice %arg7[%dma_start3A_172, %dma_start3A_178] : memref<2x128xi32, #tpu.memory_space<vmem>> -> memref<1x128xi32, #tpu.memory_space<vmem>>
        %dma_start3A_180 = tpu.memref_squeeze %dma_start3A_179 : memref<1x128xi32, #tpu.memory_space<vmem>> -> memref<128xi32, #tpu.memory_space<vmem>>
        %dma_start3A_181 = arith.constant 0 : i32
        %dma_start3A_182 = arith.constant 0 : i32
        %dma_start3A_183 = tpu.memref_slice %arg2[%dma_start3A_181, %dma_start3A_182] : memref<10112x128xf32, #tpu.memory_space<hbm>> -> memref<10112x128xf32, #tpu.memory_space<hbm>>
        tpu.enqueue_indirect_dma source(%dma_start3A_183 : memref<10112x128xf32, #tpu.memory_space<hbm>>) target(%dma_start3A_177 : memref<128x128xf32, #tpu.memory_space<vmem>>) offsets(%dma_start3A_180 : memref<128xi32, #tpu.memory_space<vmem>>) semaphore(%arg11 : memref<!tpu.dma_semaphore, #tpu.memory_space<semaphore_mem>>)
      } else {
      }
      %run_scoped3A_134 = arith.constant 1 : i32
      %run_scoped3A_135 = arith.constant 1 : i32
      "tpu.region"() ({
        %run_scoped3A_142 = tpu.sem_alloc : memref<!tpu.dma_semaphore, #tpu.memory_space<semaphore_mem>>
        %dma_start3A_143 = arith.constant 0 : i32
        %dma_start3A_144 = arith.constant 0 : i32
        %dma_start3A_145 = tpu.memref_slice %arg9[%run_scoped3A_134, %dma_start3A_143, %dma_start3A_144] : memref<2x128x128xf32, #tpu.memory_space<vmem>> -> memref<1x128x128xf32, #tpu.memory_space<vmem>>
        %dma_start3A_146 = tpu.memref_squeeze %dma_start3A_145 : memref<1x128x128xf32, #tpu.memory_space<vmem>> -> memref<128x128xf32, #tpu.memory_space<vmem>>
        %dma_start3A_147 = arith.constant 0 : i32
        %dma_start3A_148 = tpu.memref_slice %arg8[%run_scoped3A_135, %dma_start3A_147] : memref<2x128xi32, #tpu.memory_space<vmem>> -> memref<1x128xi32, #tpu.memory_space<vmem>>
        %dma_start3A_149 = tpu.memref_squeeze %dma_start3A_148 : memref<1x128xi32, #tpu.memory_space<vmem>> -> memref<128xi32, #tpu.memory_space<vmem>>
        %dma_start3A_150 = arith.constant 0 : i32
        %dma_start3A_151 = arith.constant 0 : i32
        %dma_start3A_152 = tpu.memref_slice %arg10[%dma_start3A_150, %dma_start3A_151] : memref<10112x128xf32, #tpu.memory_space<vmem_shared>> -> memref<10112x128xf32, #tpu.memory_space<vmem_shared>>
        tpu.enqueue_indirect_dma source(%dma_start3A_146 : memref<128x128xf32, #tpu.memory_space<vmem>>) target(%dma_start3A_152 : memref<10112x128xf32, #tpu.memory_space<vmem_shared>>) offsets(%dma_start3A_149 : memref<128xi32, #tpu.memory_space<vmem>>) semaphore(%run_scoped3A_142 : memref<!tpu.dma_semaphore, #tpu.memory_space<semaphore_mem>>) {add = true}
        %dma_wait3A_153 = arith.constant 0 : i32
        %dma_wait3A_154 = arith.constant 0 : i32
        %dma_wait3A_155 = tpu.memref_slice %arg9[%run_scoped3A_134, %dma_wait3A_153, %dma_wait3A_154] : memref<2x128x128xf32, #tpu.memory_space<vmem>> -> memref<1x128x128xf32, #tpu.memory_space<vmem>>
        %dma_wait3A_156 = tpu.memref_squeeze %dma_wait3A_155 : memref<1x128x128xf32, #tpu.memory_space<vmem>> -> memref<128x128xf32, #tpu.memory_space<vmem>>
        %dma_wait3A_157 = arith.constant 0 : i32
        %dma_wait3A_158 = tpu.memref_slice %arg8[%run_scoped3A_135, %dma_wait3A_157] : memref<2x128xi32, #tpu.memory_space<vmem>> -> memref<1x128xi32, #tpu.memory_space<vmem>>
        %dma_wait3A_159 = tpu.memref_squeeze %dma_wait3A_158 : memref<1x128xi32, #tpu.memory_space<vmem>> -> memref<128xi32, #tpu.memory_space<vmem>>
        %dma_wait3A_160 = arith.constant 0 : i32
        %dma_wait3A_161 = arith.constant 0 : i32
        %dma_wait3A_162 = tpu.memref_slice %arg10[%dma_wait3A_160, %dma_wait3A_161] : memref<10112x128xf32, #tpu.memory_space<vmem_shared>> -> memref<10112x128xf32, #tpu.memory_space<vmem_shared>>
        tpu.wait_indirect_dma semaphore(%run_scoped3A_142 : memref<!tpu.dma_semaphore, #tpu.memory_space<semaphore_mem>>) src(%dma_wait3A_156 : memref<128x128xf32, #tpu.memory_space<vmem>>) dst(%dma_wait3A_162 : memref<10112x128xf32, #tpu.memory_space<vmem_shared>>)
        tpu.yield
      }) : () -> ()
      %add3A_136 = arith.constant 2 : i32
      %add3A_137 = arith.addi %add3A_115, %add3A_136 : i32
      %lt3A_138 = arith.cmpi slt, %add3A_137, %select_n3A_5 : i32
      %convert_element_type3A_139 = arith.extui %lt3A_138 : i1 to i32
      %cond3A_140 = arith.constant 0 : i32
      %cond3A_141 = arith.cmpi ne, %convert_element_type3A_139, %cond3A_140 : i32
      scf.if %cond3A_141 {
        %add3A_142 = arith.constant 2 : i32
        %add3A_143 = arith.addi %add3A_115, %add3A_142 : i32
        %dma_start3A_144 = arith.constant 1 : i32
        %dma_start3A_145 = arith.constant 0 : i32
        %dma_start3A_146 = tpu.memref_slice %arg7[%dma_start3A_144, %dma_start3A_145] : memref<2x128xi32, #tpu.memory_space<vmem>> -> memref<1x128xi32, #tpu.memory_space<vmem>>
        %dma_start3A_147 = tpu.memref_squeeze %dma_start3A_146 : memref<1x128xi32, #tpu.memory_space<vmem>> -> memref<128xi32, #tpu.memory_space<vmem>>
        %dma_start3A_148 = arith.constant 0 : i32
        %dma_start3A_149 = tpu.memref_slice %arg4[%add3A, %add3A_143, %dma_start3A_148] : memref<32x104x128xi32, #tpu.memory_space<hbm>> -> memref<1x1x128xi32, #tpu.memory_space<hbm>>
        %dma_start3A_150 = tpu.memref_squeeze %dma_start3A_149 : memref<1x1x128xi32, #tpu.memory_space<hbm>> -> memref<128xi32, #tpu.memory_space<hbm>>
        %dma_start3A_151 = arith.constant 0 : i32
        %dma_start3A_152 = tpu.memref_slice %arg7[%dma_start3A_144, %dma_start3A_151] : memref<2x128xi32, #tpu.memory_space<vmem>> -> memref<1x128xi32, #tpu.memory_space<vmem>>
        %dma_start3A_153 = tpu.memref_squeeze %dma_start3A_152 : memref<1x128xi32, #tpu.memory_space<vmem>> -> memref<128xi32, #tpu.memory_space<vmem>>
        %dma_start3A_154 = arith.constant 0 : i32
        %dma_start3A_155 = tpu.memref_slice %arg4[%add3A, %add3A_143, %dma_start3A_154] : memref<32x104x128xi32, #tpu.memory_space<hbm>> -> memref<1x1x128xi32, #tpu.memory_space<hbm>>
        %dma_start3A_156 = tpu.memref_squeeze %dma_start3A_155 : memref<1x1x128xi32, #tpu.memory_space<hbm>> -> memref<128xi32, #tpu.memory_space<hbm>>
        tpu.enqueue_dma source(%dma_start3A_156 : memref<128xi32, #tpu.memory_space<hbm>>) target(%dma_start3A_153 : memref<128xi32, #tpu.memory_space<vmem>>) target_semaphore(%arg12 : memref<!tpu.dma_semaphore, #tpu.memory_space<semaphore_mem>>)
        %add3A_157 = arith.constant 2 : i32
        %add3A_158 = arith.addi %add3A_115, %add3A_157 : i32
        %dma_start3A_159 = arith.constant 1 : i32
        %dma_start3A_160 = arith.constant 0 : i32
        %dma_start3A_161 = tpu.memref_slice %arg8[%dma_start3A_159, %dma_start3A_160] : memref<2x128xi32, #tpu.memory_space<vmem>> -> memref<1x128xi32, #tpu.memory_space<vmem>>
        %dma_start3A_162 = tpu.memref_squeeze %dma_start3A_161 : memref<1x128xi32, #tpu.memory_space<vmem>> -> memref<128xi32, #tpu.memory_space<vmem>>
        %dma_start3A_163 = arith.constant 0 : i32
        %dma_start3A_164 = tpu.memref_slice %arg5[%add3A, %add3A_158, %dma_start3A_163] : memref<32x104x128xi32, #tpu.memory_space<hbm>> -> memref<1x1x128xi32, #tpu.memory_space<hbm>>
        %dma_start3A_165 = tpu.memref_squeeze %dma_start3A_164 : memref<1x1x128xi32, #tpu.memory_space<hbm>> -> memref<128xi32, #tpu.memory_space<hbm>>
        %dma_start3A_166 = arith.constant 0 : i32
        %dma_start3A_167 = tpu.memref_slice %arg8[%dma_start3A_159, %dma_start3A_166] : memref<2x128xi32, #tpu.memory_space<vmem>> -> memref<1x128xi32, #tpu.memory_space<vmem>>
        %dma_start3A_168 = tpu.memref_squeeze %dma_start3A_167 : memref<1x128xi32, #tpu.memory_space<vmem>> -> memref<128xi32, #tpu.memory_space<vmem>>
        %dma_start3A_169 = arith.constant 0 : i32
        %dma_start3A_170 = tpu.memref_slice %arg5[%add3A, %add3A_158, %dma_start3A_169] : memref<32x104x128xi32, #tpu.memory_space<hbm>> -> memref<1x1x128xi32, #tpu.memory_space<hbm>>
        %dma_start3A_171 = tpu.memref_squeeze %dma_start3A_170 : memref<1x1x128xi32, #tpu.memory_space<hbm>> -> memref<128xi32, #tpu.memory_space<hbm>>
        tpu.enqueue_dma source(%dma_start3A_171 : memref<128xi32, #tpu.memory_space<hbm>>) target(%dma_start3A_168 : memref<128xi32, #tpu.memory_space<vmem>>) target_semaphore(%arg12 : memref<!tpu.dma_semaphore, #tpu.memory_space<semaphore_mem>>)
      } else {
      }
    }
    %barrier3A_82 = arith.constant 0 : index
    tpu.barrier barrier_id(%barrier3A_82)
    "tpu.region"() ({
      %run_scoped3A_83 = tpu.sem_alloc : memref<!tpu.dma_semaphore, #tpu.memory_space<semaphore_mem>>
      %dma_start3A_84 = arith.constant 0 : i32
      %dma_start3A_85 = tpu.memref_slice %arg6[%arg0, %mul3A_2, %dma_start3A_84] : memref<2x10112x128xf32, #tpu.memory_space<hbm>> -> memref<1x632x128xf32, #tpu.memory_space<hbm>>
      %dma_start3A_86 = tpu.memref_squeeze %dma_start3A_85 : memref<1x632x128xf32, #tpu.memory_space<hbm>> -> memref<632x128xf32, #tpu.memory_space<hbm>>
      %dma_start3A_87 = arith.constant 0 : i32
      %dma_start3A_88 = tpu.memref_slice %arg10[%mul3A_2, %dma_start3A_87] : memref<10112x128xf32, #tpu.memory_space<vmem_shared>> -> memref<632x128xf32, #tpu.memory_space<vmem_shared>>
      tpu.enqueue_dma source(%dma_start3A_88 : memref<632x128xf32, #tpu.memory_space<vmem_shared>>) target(%dma_start3A_86 : memref<632x128xf32, #tpu.memory_space<hbm>>) target_semaphore(%run_scoped3A_83 : memref<!tpu.dma_semaphore, #tpu.memory_space<semaphore_mem>>)
      %dma_wait3A = arith.constant 0 : i32
      %dma_wait3A_89 = tpu.memref_slice %arg6[%arg0, %mul3A_2, %dma_wait3A] : memref<2x10112x128xf32, #tpu.memory_space<hbm>> -> memref<1x632x128xf32, #tpu.memory_space<hbm>>
      %dma_wait3A_90 = tpu.memref_squeeze %dma_wait3A_89 : memref<1x632x128xf32, #tpu.memory_space<hbm>> -> memref<632x128xf32, #tpu.memory_space<hbm>>
      %dma_wait3A_91 = arith.constant 0 : i32
      %dma_wait3A_92 = tpu.memref_slice %arg10[%mul3A_2, %dma_wait3A_91] : memref<10112x128xf32, #tpu.memory_space<vmem_shared>> -> memref<632x128xf32, #tpu.memory_space<vmem_shared>>
      tpu.wait_dma2 semaphore(%run_scoped3A_83 : memref<!tpu.dma_semaphore, #tpu.memory_space<semaphore_mem>>) src(%dma_wait3A_92 : memref<632x128xf32, #tpu.memory_space<vmem_shared>>) dst(%dma_wait3A_90 : memref<632x128xf32, #tpu.memory_space<hbm>>)
      tpu.yield
    }) : () -> ()
    return
  }
}

</mosaic_0001>

<sc_bundles>
// kernel: kernel.3.cloned.1.call-start
scs
__scs_entry_jumppad:
0x0: {  	(pc) =	sbr.rel $0x88, $3  }
0x1: {  	(tag) =	ssettag $0x0;
	lr =	simm.s32 $0x1  }
0x2: {  	[smem:$0x3F9F] =	sst lr;
	_ =	strace $0xD0000000  }
0x3: {  	_ = 	snop  }
0x4: {  	_ = 	snop  }
0x5: {  	_ = 	snop  }
0x6: {  	_ = 	snop  }
0x7: {  	_ = 	snop  }
__scs_overlays_trampoline_lowered:
0x8: {  	[smem:$0x3FAE] =	sst s0  }
0x9: {  	[smem:$0x3FAF] =	sst s1  }
0xa: {  	[smem:$0x3FB0] =	sst s2  }
0xb: {  	[smem:$0x3FB1] =	sst s3  }
0xc: {  	[smem:$0x3FB2] =	sst s4  }
0xd: {  	[smem:$0x3FB3] =	sst s5  }
0xe: {  	[smem:$0x3FB4] =	sst s6  }
0xf: {  	[smem:$0x3FB5] =	sst s7  }
0x10: {  	[smem:$0x3FB6] =	sst s8  }
0x11: {  	[smem:$0x3FB7] =	sst s9;
	s0 =	simm.s32 @!p0 $0x0  }
0x12: {  	s1 =	sld [smem:$0x3F9D];
	s0 =	simm.s32 @p0 $0x1  }
0x13: {  	[smem:$0x3FB8] =	sst s0;
	s0 =	simm.s32 @!p1 $0x0  }
0x14: {  	s2 =	sld [smem:$0x3F9C];
	s0 =	simm.s32 @p1 $0x1  }
0x15: {  	[smem:$0x3FB9] =	sst s0;
	s0 =	simm.s32 @!p2 $0x0  }
0x16: {  	s3 =	sld [smem:$0x3FDB];
	s0 =	simm.s32 @p2 $0x1  }
0x17: {  	s4 =	simm.s32 $0x1BF5;
	[smem:$0x3FBB] =	sst s0  }
0x18: {  	s0 =	sld [smem:$0x3F9E];
	_ =	swait.ge [sflag:s4], $0x0  }
0x19: {  	s7 =	sld [smem:$0x3F9F]  }
0x1a: {  	s8 =	sadd.s32 $0xFFFFE003, lr  }
0x1b: {  	s9 =	sadd.s32 $0xFFFFFEF7, lr;
	s5 =	simm.s32 $0xFFFFFFFF;
	p2 =	slt.u32 s8, $0xFFFFF086  }
0x1c: {  	p1 =	slt.u32 s9, $0xF7A;
	s5 =	simm.s32 @!p2 $0x0  }
0x1d: {  	s5 =	simm.s32 @p1 $0x1;
	p0 =	seq.s32 s7, s2  }
0x1e: {  	s7 =	smul.u32 @!p0 $0xF7A, s2;
	p2 =	seq.s32 @!p0 s5, $0x0  }
0x1f: {  	s9 =	smul.u32 $0xF7A, s1;
	s8 =	simm.s32 @!p0 $0x1BF5;
	p2 =	por !p2, p0  }
0x20: {  	[sflag:s8] =	ssyncset.s32 @!p0 $0xFFFFF086;
	s6 =	sadd.s32 @!p0 s3, s7;
	s7 =	simm.s32 @!p0 $0x108  }
0x21: {  	s3 =	sadd.s32 s3, s9;
	s6 =	sadd.s32 @!p0 $0x88, s6;
	s7 =	simm.s32 @p2 $0x1082  }
0x22: {  	[simem:s7], [sflag:s8] =	dma.local @!p0 [hbm:s6], $0xF7A  }
0x23: {  	s9 =	sor.u32 $0xD0000000, s2;
	s6 =	simm.s32 $0x108;
	_ =	swait.ge @!p0 [sflag:s8], $0x0  }
0x24: {  	s3 =	sadd.s32 $0x88, s3;
	s6 =	simm.s32 @!p1 $0x1082;
	[sflag:s4] =	ssyncset.s32 $0xFFFFF086  }
0x25: {  	[simem:s6], [sflag:s4] =	dma.local [hbm:s3], $0xF7A  }
0x26: {  	[smem:$0x3F9F] =	sst s1;
	(tag) =	ssettag s2;
	_ =	strace s9  }
0x27: {  	s1 =	sld [smem:$0x3FAF]  }
0x28: {  	s2 =	sld [smem:$0x3FB0]  }
0x29: {  	s4 =	sld [smem:$0x3FB2]  }
0x2a: {  	p0 =	seq.s32 s5, $0x0;
	s5 =	sld [smem:$0x3FB3]  }
0x2b: {  	s6 =	sld [smem:$0x3FB4]  }
0x2c: {  	s7 =	sld [smem:$0x3FB5]  }
0x2d: {  	s3 =	simm.s32 $0x108;
	s8 =	sld [smem:$0x3FB6]  }
0x2e: {  	s3 =	simm.s32 @!p0 $0x1082;
	s9 =	sld [smem:$0x3FB7]  }
0x2f: {  	lr =	sadd.s32 s0, s3;
	s0 =	sld [smem:$0x3FAE]  }
0x30: {  	s3 =	sld [smem:$0x3FB1]  }
0x31: {  	[smem:$0x3FBA] =	sst s10  }
0x32: {  	s10 =	sld [smem:$0x3FB8];
	_ =	sdelay $0x3  }
0x33: {  	p0 =	seq.s32 s10, $0x1;
	s10 =	sld [smem:$0x3FBA];
	_ =	sdelay $0x3  }
0x34: {  	[smem:$0x3FBA] =	sst s10  }
0x35: {  	s10 =	sld [smem:$0x3FB9];
	_ =	sdelay $0x3  }
0x36: {  	p1 =	seq.s32 s10, $0x1;
	s10 =	sld [smem:$0x3FBA];
	_ =	sdelay $0x3  }
0x37: {  	[smem:$0x3FBA] =	sst s10  }
0x38: {  	s10 =	sld [smem:$0x3FBB]  }
0x39: {  	_ = 	snop;
	(pc) =	sbr.ind lr, $3  }
0x3a: {  	_ = 	snop  }
0x3b: {  	_ = 	snop  }
0x3c: {  	p2 =	seq.s32 s10, $0x1;
	s10 =	sld [smem:$0x3FBA]  }
0x3d: {  	_ =	shalt  }
0x3e: {  	_ =	shalt  }
0x3f: {  	_ =	shalt  }
0x40: {  	_ =	shalt  }
0x41: {  	_ =	shalt  }
0x42: {  	_ =	shalt  }
0x43: {  	_ =	shalt  }
0x44: {  	_ =	shalt  }
0x45: {  	_ =	shalt  }
0x46: {  	_ =	shalt  }
0x47: {  	_ =	shalt  }
0x48: {  	_ =	shalt  }
0x49: {  	_ =	shalt  }
0x4a: {  	_ =	shalt  }
0x4b: {  	_ =	shalt  }
0x4c: {  	_ =	shalt  }
0x4d: {  	_ =	shalt  }
0x4e: {  	_ =	shalt  }
0x4f: {  	_ =	shalt  }
0x50: {  	_ =	shalt  }
0x51: {  	_ =	shalt  }
0x52: {  	_ =	shalt  }
0x53: {  	_ =	shalt  }
0x54: {  	_ =	shalt  }
0x55: {  	_ =	shalt  }
0x56: {  	_ =	shalt  }
0x57: {  	_ =	shalt  }
0x58: {  	_ =	shalt  }
0x59: {  	_ =	shalt  }
0x5a: {  	_ =	shalt  }
0x5b: {  	_ =	shalt  }
0x5c: {  	_ =	shalt  }
0x5d: {  	_ =	shalt  }
0x5e: {  	_ =	shalt  }
0x5f: {  	_ =	shalt  }
0x60: {  	_ =	shalt  }
0x61: {  	_ =	shalt  }
0x62: {  	_ =	shalt  }
0x63: {  	_ =	shalt  }
0x64: {  	_ =	shalt  }
0x65: {  	_ =	shalt  }
0x66: {  	_ =	shalt  }
0x67: {  	_ =	shalt  }
0x68: {  	_ =	shalt  }
0x69: {  	_ =	shalt  }
0x6a: {  	_ =	shalt  }
0x6b: {  	_ =	shalt  }
0x6c: {  	_ =	shalt  }
0x6d: {  	_ =	shalt  }
0x6e: {  	_ =	shalt  }
0x6f: {  	_ =	shalt  }
0x70: {  	_ =	shalt  }
0x71: {  	_ =	shalt  }
0x72: {  	_ =	shalt  }
0x73: {  	_ =	shalt  }
0x74: {  	_ =	shalt  }
0x75: {  	_ =	shalt  }
0x76: {  	_ =	shalt  }
0x77: {  	_ =	shalt  }
0x78: {  	_ =	shalt  }
0x79: {  	_ =	shalt  }
0x7a: {  	_ =	shalt  }
0x7b: {  	_ =	shalt  }
0x7c: {  	_ =	shalt  }
0x7d: {  	_ =	shalt  }
0x7e: {  	_ =	shalt  }
0x7f: {  	_ =	shalt  }
0x80: {  	_ =	shalt  }
0x81: {  	_ =	shalt  }
0x82: {  	_ =	shalt  }
0x83: {  	_ =	shalt  }
0x84: {  	_ =	shalt  }
0x85: {  	_ =	shalt  }
0x86: {  	_ =	shalt  }
0x87: {  	_ =	shalt  }
.Lfunc_end0:
.L_simem_size_0:
called_computation_lowered:
.L_overlay_start_0:
0x88: {  	s2 =	sld [smem:$0x3FD9]  }
0x89: {  	s3 =	sld [smem:$0x3FFE];
	_ =	sdelay $0x1  }
0x8a: {  	s1 =	srdreg.scid  }
0x8b: {  	s0 =	sand.u32 $0x1, s1  }
0x8c: {  	s17 =	sshll.u32 s0, $0xA;
	s2 =	sadd.s32 s3, s2  }
0x8d: {  	s2 =	sadd.s32 s2, s17  }
0x8e: {  	[smem:$0x3FC6] =	sst s2  }
0x8f: {  	_ = 	snop  }
0x90: {  	s2 =	sld [smem:$0x3FD0];
	(tm) =	ssettm $0x1  }
0x91: {  	s18 =	sld [smem:$0x3FFB];
	_ =	sdelay $0x3  }
0x92: {  	_ =	strace s18  }
0x93: {  	s3 =	sld [smem:$0x3FFC];
	_ =	sdelay $0x3  }
0x94: {  	_ =	strace s3  }
0x95: {  	s3 =	sld [smem:$0x3FFD];
	_ =	sdelay $0x3  }
0x96: {  	_ =	strace s3  }
0x97: {  	_ =	strace $0x8FFFFFFF  }
0x98: {  	s19 =	sld [smem:$0x3FDB];
	_ =	sdelay $0x1  }
0x99: {  	s4 =	simm.s32 $_scs_section_size  }
0x9a: {  	s5 =	simm.s32 $_size__tile_overlayer_lowered;
	s6 =	simm.s32 $_tile_overlayer_lowered  }
0x9b: {  	s22 =	simm.s32 $0x1BFF;
	s21 =	sshll.u32 s6, $0x1;
	s3 =	sadd.s32 s4, s19  }
0x9c: {  	s7 =	simm.s32 $0x0;
	s20 =	sshll.u32 s5, $0x1;
	s5 =	sadd.s32 s21, s3  }
0x9d: {  	[timem:s7], [sflag:s22] =	dma.local [hbm:s5], s20  }
0x9e: {  	_ =	swait.ge [sflag:s22], s20  }
0x9f: {  	s4 =	ssub.s32 $0x0, s20;
	[sflag:s22] =	ssyncset.done $0x0  }
0xa0: {  	[sflag:s22] =	ssyncadd.s32 s4;
	_ =	sdelay $0x1  }
0xa1: {  	s23 =	simm.s32 $0x1B8B  }
0xa2: {  	_ =	swait.ge [sflag:s23], $0x1  }
0xa3: {  	[sflag:s23] =	ssyncset.done $0x0  }
0xa4: {  	s25 =	simm.s32 $0x1B8E;
	s24 =	sld [smem:$0x3FFE];
	[sflag:s23] =	ssyncadd.s32 $0xFFFFFFFF  }
0xa5: {  	s26 =	simm.s32 $execute0_lowered;
	[smem:$0x3FD2] =	sst s25  }
0xa6: {  	s5 =	sshll.u32 s26, $0x1;
	_ =	strace $0x80000046;
	[dreg:$0x1] =	wrdreg $0xFFFFFFFF  }
0xa7: {  	s28 =	simm.s32 $_size_execute0_lowered;
	s3 =	sadd.s32 s3, s5;
	[dreg:$0x0] =	wrdreg $0x0  }
0xa8: {  	s5 =	sshll.u32 s28, $0x1;
	[dreg:$0x2] =	wrdreg s3  }
0xa9: {  	[dreg:$0x3] =	wrdreg s5  }
0xaa: {  	[dreg:$0x4] =	wrdreg $0xC0  }
0xab: {  	_ =	task [dreg:s7], $0x5FFFF  }
0xac: {  	[dreg:$0x1] =	wrdreg $0xFFFFFFFF  }
0xad: {  	[dreg:$0x0] =	wrdreg $0x60  }
0xae: {  	[dreg:$0x2] =	wrdreg s24  }
0xaf: {  	[dreg:$0x3] =	wrdreg s2  }
0xb0: {  	[dreg:$0x4] =	wrdreg $0x82000  }
0xb1: {  	[dreg:$0x5] =	wrdreg $0x9  }
0xb2: {  	_ =	task.clear_ibuf [dreg:s7], $0x6FFFF;
	_ =	strace $0x90000046  }
0xb3: {  	s29 =	simm.s32 $0x9;
	_ =	strace $0x80000048  }
0xb4: {  	_ =	swait.ge [sflag:s29], $0x1  }
0xb5: {  	[sflag:s29] =	ssyncadd.s32 $0xFFFFFFFF  }
0xb6: {  	_ =	strace $0x90000048  }
0xb7: {  	_ =	sfence  }
0xb8: {  	s30 =	sld [smem:$0x0];
	_ =	sdelay $0x2  }
0xb9: {  	s31 =	sshll.u32 s1, $0xD;
	s1 =	sshrl.u32 s1, $0x2  }
0xba: {  	s3 =	sand.u32 $0x4000, s31;
	s1 =	sadd.s32 s1, s30  }
0xbb: {  	s0 =	sor.u32 s3, s0;
	s1 =	sshll.u32 s1, $0x11  }
0xbc: {  	s0 =	sor.u32 s1, s0  }
0xbd: {  	s0 =	sadd.s32 $0x8F2B, s0  }
0xbe: {  	[sflag:s0] =	ssyncadd.remote.s32 $0x1  }
0xbf: {  	_ =	sfence.sel $0xFFFF  }
0xc0: {  	[dreg:$0x0] =	wrdreg $0xFFFFFFFF;
	(pc) =	sbr.abs _section_cstart, $3  }
0xc1: {  	[dreg:$0x1] =	wrdreg $0xFFFFFFFF  }
0xc2: {  	_ =	task.clear_ibuf [dreg:s7], $0x2FFFF;
	_ =	strace $0x9FFFFFFF  }
0xc3: {  	(tm) =	ssettm $0x7FFFFFFF  }
tec
execute0_lowered:
.L_overlay_start_1:
0x0: {  	(tag) =	ssettag $0x1  }
0x1: {  	s1 =	rddreg [dreg:$0x0]  }
0x2: {  	s0 =	rddreg [dreg:$0x1]  }
0x3: {  	s2 =	rddreg [dreg:$0x2]  }
0x4: {  	s4 =	srdreg.scid;
	s15 =	stileid.u32  }
0x5: {  	s3 =	simm.s32 $0x0;
	s28 =	simm.s32 $0x4200;
	s29 =	simm.s32 $0x0  }
0x6: {  	s6 =	sand.u32 $0x1, s4;
	s7 =	smul.u32 $0x13C00, s15;
	[smem:$0x7FF] =	sst s3  }
0x7: {  	s4 =	sadd.s32 $0xDA00, s1;
	s8 =	sadd.s32 $0x35200, s1;
	s14 =	smul.u32 $0x3400, s15  }
0x8: {  	s20 =	sadd.s32 $0xA00, s1;
	s19 =	sshll.u32 s15, $0x6;
	s5 =	smul.u32 $0x13C000, s6  }
0x9: {  	_ =	strace $0x80000047;
	s9 =	ssub.s32 $0x2, s6;
	s10 =	sshll.u32 s6, $0x4  }
0xa: {  	p0 =	seq.s32 s6, $0x0;
	s6 =	smul.u32 $0x34000, s6;
	s11 =	sshrl.u32 s9, $0x1  }
0xb: {  	s10 =	sor.u32 s15, s10;
	s24 =	sadd.s32 s7, s2;
	s8 =	smov.u32 @p0 s4  }
0xc: {  	s15 =	sor.u32 $0x1C03, s19;
	s5 =	sadd.s32 s7, s5;
	s10 =	smul.u32 $0x3400, s10  }
0xd: {  	s13 =	ssub.s32 s9, s11;
	[dreg:$0x8] =	wrdreg s24;
	s7 =	sshrl.u32 s7, $0x3  }
0xe: {  	s5 =	sshrl.u32 s5, $0x3;
	s13 =	smax.u32 s13, $0x1;
	s25 =	sshrl.u32 s10, $0x3  }
0xf: {  	s1 =	sadd.s32 s5, s1;
	s5 =	simm.s32 $0x68;
	s10 =	sadd.s32 s0, s25  }
0x10: {  	s5 =	simm.s32 @!p0 $0x36;
	s9 =	sadd.s32 s20, s25;
	[dreg:$0x9] =	wrdreg s10  }
0x11: {  	s26 =	sor.u32 $0x10, s25;
	s12 =	sadd.s32 $0x5CA00, s1;
	[dreg:$0xa] =	wrdreg s9  }
0x12: {  	s30 =	sadd.s32 s0, s26;
	s31 =	sadd.s32 s20, s26;
	s11 =	sadd.s32 $0xFFFFFFFF, s5  }
0x13: {  	s10 =	sadd.s32 s14, s6;
	s14 =	sadd.s32 s8, s7;
	[dreg:$0xb] =	wrdreg s30  }
0x14: {  	s21 =	sshll.u32 s5, $0x4;
	[dreg:$0xc] =	wrdreg s31;
	s6 =	sor.u32 $0x280, s10  }
0x15: {  	s16 =	sadd.s32 $0xFFFFFFE0, s21;
	s23 =	sor.u32 $0x200, s10;
	s24 =	sor.u32 $0x100, s10  }
0x16: {  	s1 =	sor.u32 $0x180, s10;
	s21 =	simm.s32 $0x100;
	s6 =	sshrl.u32 s6, $0x3  }
0x17: {  	s7 =	sshrl.u32 s23, $0x3;
	s8 =	sshrl.u32 s24, $0x3;
	s1 =	sshrl.u32 s1, $0x3  }
0x18: {  	s23 =	simm.s32 $0x200;
	s24 =	simm.s32 $0x180;
	s22 =	sadd.s32 s6, s20  }
0x19: {  	s6 =	sadd.s32 s6, s0;
	s25 =	sadd.s32 s7, s20;
	s26 =	sadd.s32 s8, s20  }
0x1a: {  	s30 =	sadd.s32 s8, s0;
	s7 =	sadd.s32 s7, s0;
	[dreg:$0x5] =	wrdreg s26  }
0x1b: {  	s31 =	sadd.s32 s1, s20;
	s0 =	sadd.s32 s1, s0;
	[dreg:$0x4] =	wrdreg s30  }
0x1c: {  	s17 =	sadd.s32 $0xFFFFFFE0, s22;
	s18 =	sadd.s32 $0xFFFFFFE0, s6;
	[dreg:$0x7] =	wrdreg s31  }
0x1d: {  	s19 =	sadd.s32 $0xFFFFFFE0, s25;
	s20 =	sadd.s32 $0xFFFFFFE0, s7;
	[dreg:$0x6] =	wrdreg s0  }
0x1e: {  	s22 =	simm.s32 $0x80;
	s25 =	simm.s32 $0x1;
	s26 =	simm.s32 $0x3  }
.LBB2_1:
0x1f: {  	s0 =	rddreg [dreg:$0x8]  }
0x20: {  	s30 =	sshrl.u32 s0, $0x3  }
0x21: {  	[spmem:s30], [sflag:s15] =	dma.local [hbm:s14], $0x2780  }
0x22: {  	_ =	swait.ge [sflag:s26], $0x2780  }
0x23: {  	[sflag:s26] =	ssyncset.done $0x0  }
0x24: {  	[sflag:s26] =	ssyncadd.s32 $0xFFFFD880  }
0x25: {  	[bflag:$0x0] =	sbarrier.arrive $0xFFFF  }
0x26: {  	s7 =	rddreg [dreg:$0x9]  }
0x27: {  	[tilespmem:s3], [sflag:$0x3] =	stream.linear.gather [hbm4b:s7+s3], $0x80, $0x38;
	[tilespmem:$0x1BE00] =	vst v63  }
0x28: {  	_ =	swait.ge [sflag:s26], $0x80  }
0x29: {  	[sflag:s26] =	ssyncset.done $0x0  }
0x2a: {  	s8 =	rddreg [dreg:$0xa];
	[sflag:s26] =	ssyncadd.s32 $0xFFFFFF80  }
0x2b: {  	[tilespmem:s21], [sflag:$0x3] =	stream.linear.gather [hbm4b:s8+s3], $0x80, $0x38;
	[tilespmem:$0x1BE00] =	vst v63  }
0x2c: {  	_ =	swait.ge [sflag:s26], $0x80  }
0x2d: {  	[sflag:s26] =	ssyncset.done $0x0  }
0x2e: {  	[sflag:s26] =	ssyncadd.s32 $0xFFFFFF80  }
0x2f: {  	[tilespmem:s23], [sflag:$0x1] =	stream.indirect.gather [hbm4b:s4+s22], $0x80, s3, s22, $0xb8;
	[tilespmem:$0x1BE00] =	vst v63  }
0x30: {  	s9 =	rddreg [dreg:$0xb]  }
0x31: {  	[tilespmem:s22], [sflag:$0x2] =	stream.linear.gather [hbm4b:s9+s3], $0x80, $0x38;
	[tilespmem:$0x1BE00] =	vst v63  }
0x32: {  	s10 =	rddreg [dreg:$0xc]  }
0x33: {  	[tilespmem:s24], [sflag:$0x2] =	stream.linear.gather [hbm4b:s10+s3], $0x80, $0x38;
	[tilespmem:$0x1BE00] =	vst v63  }
0x34: {  	_ =	swait.ge [sflag:s25], $0x4000  }
0x35: {  	p0 =	sle.u32 s11, $0x0;
	[sflag:s25] =	ssyncset.done $0x0  }
0x36: {  	s0 =	simm.s32 @!p0 $0x2;
	[sflag:s25] =	ssyncadd.s32 $0xFFFFC000  }
0x37: {  	_ =	swait.ge @!p0 [sflag:s0], $0x80  }
0x38: {  	[sflag:s0] =	ssyncset.done @!p0 $0x0  }
0x39: {  	[sflag:s0] =	ssyncadd.s32 @!p0 $0xFFFFFF80  }
0x3a: {  	_ =	swait.ge @!p0 [sflag:s0], $0x80  }
0x3b: {  	[sflag:s0] =	ssyncset.done @!p0 $0x0  }
0x3c: {  	s1 =	simm.s32 @!p0 $0x4200;
	[sflag:s0] =	ssyncadd.s32 @!p0 $0xFFFFFF80;
	s0 =	simm.s32 @!p0 $0x80  }
0x3d: {  	[tilespmem:s1], [sflag:$0x1] =	stream.indirect.gather @!p0 [hbm4b:s4+s0], $0x80, s0, s0, $0xb8;
	[tilespmem:$0x1BE00] =	vst v63  }
0x3e: {  	_ = 	snop  }
0x3f: {  	[spmem:s2] =	stream.indirect.scatter.add.f32 [tilespmem:s23], [sflag:$0x3], $0x80, s21, s22, $0xb8;
	[tilespmem:$0x1BE00] =	vst v63  }
0x40: {  	_ =	swait.ge [sflag:s26], $0x4000  }
0x41: {  	p0 =	sle.u32 s5, $0x2;
	[sflag:s26] =	ssyncset.done $0x0  }
0x42: {  	s0 =	simm.s32 @p0 $0x1;
	[sflag:s26] =	ssyncadd.s32 $0xFFFFC000  }
0x43: {  	_ =	swait.ge @p0 [sflag:s0], $0x4000  }
0x44: {  	s1 =	rddreg [dreg:$0x4]  }
0x45: {  	[sflag:s0] =	ssyncset.done @p0 $0x0;
	s6 =	rddreg [dreg:$0x5]  }
0x46: {  	[sflag:s0] =	ssyncadd.s32 @p0 $0xFFFFC000;
	s0 =	sadd.s32 @!p0 $0x0, s1;
	s1 =	simm.s32 @!p0 $0x0  }
0x47: {  	[tilespmem:s1], [sflag:$0x2] =	stream.linear.gather @!p0 [hbm4b:s0+s1], $0x80, $0x38;
	[tilespmem:$0x1BE00] =	vst v63  }
0x48: {  	s7 =	simm.s32 @!p0 $0x1;
	s0 =	sadd.s32 @!p0 $0x0, s6;
	s6 =	simm.s32 @!p0 $0x100  }
0x49: {  	[tilespmem:s6], [sflag:$0x2] =	stream.linear.gather @!p0 [hbm4b:s0+s1], $0x80, $0x38;
	[tilespmem:$0x1BE00] =	vst v63  }
0x4a: {  	_ =	swait.ge @!p0 [sflag:s7], $0x4000  }
0x4b: {  	[sflag:s7] =	ssyncset.done @!p0 $0x0  }
0x4c: {  	s0 =	simm.s32 @!p0 $0x2;
	[sflag:s7] =	ssyncadd.s32 @!p0 $0xFFFFC000  }
0x4d: {  	_ =	swait.ge @!p0 [sflag:s0], $0x80  }
0x4e: {  	[sflag:s0] =	ssyncset.done @!p0 $0x0  }
0x4f: {  	[sflag:s0] =	ssyncadd.s32 @!p0 $0xFFFFFF80  }
0x50: {  	_ =	swait.ge @!p0 [sflag:s0], $0x80  }
0x51: {  	[sflag:s0] =	ssyncset.done @!p0 $0x0  }
0x52: {  	s6 =	simm.s32 @!p0 $0x200;
	[sflag:s0] =	ssyncadd.s32 @!p0 $0xFFFFFF80;
	s0 =	simm.s32 @!p0 $0x80  }
0x53: {  	[tilespmem:s6], [sflag:$0x1] =	stream.indirect.gather @!p0 [hbm4b:s4+s0], $0x80, s1, s0, $0xb8;
	[tilespmem:$0x1BE00] =	vst v63  }
0x54: {  	p1 =	sle.u32 s5, $0x3;
	s31 =	simm.s32 $0x20;
	p0 =	sne.s32 s16, $0x20  }
0x55: {  	[spmem:s2] =	stream.indirect.scatter.add.f32 [tilespmem:s28], [sflag:$0x3], $0x80, s24, s22, $0xb8;
	[tilespmem:$0x1BE00] =	vst v63  }
.Ltmp0:
0x56: {  	s7 =	simm.s32 @!p1 $0x80;
	_ =	swait.ge [sflag:s26], $0x4000;
	(pc) =	sbr.rel @!p0 .LBB2_3-.Ltmp0, $4  }
0x57: {  	s6 =	simm.s32 @!p1 $0x0;
	s0 =	rddreg [dreg:$0x6];
	[sflag:s26] =	ssyncset.done $0x0  }
0x58: {  	s1 =	rddreg [dreg:$0x7];
	[sflag:s26] =	ssyncadd.s32 $0xFFFFC000;
	s0 =	sadd.s32 @!p1 $0x0, s0  }
0x59: {  	[tilespmem:s7], [sflag:$0x2] =	stream.linear.gather @!p1 [hbm4b:s0+s6], $0x80, $0x38;
	[tilespmem:$0x1BE00] =	vst v63  }
0x5a: {  	s8 =	simm.s32 @!p1 $0x180;
	s7 =	sadd.s32 @!p1 $0x0, s1;
	s0 =	simm.s32 $0x3  }
.LBB2_2:
0x5b: {  	s0 =	sadd.s32 $0x2, s0  }
0x5c: {  	[tilespmem:s8], [sflag:$0x2] =	stream.linear.gather @!p1 [hbm4b:s7+s6], $0x80, $0x38;
	[tilespmem:$0x1BE00] =	vst v63  }
0x5d: {  	s9 =	sadd.s32 $0xFFFFFFFD, s0;
	_ =	swait.ge [sflag:s25], $0x4000  }
0x5e: {  	[sflag:s25] =	ssyncset.done $0x0;
	p1 =	sge.u32 s9, s11  }
0x5f: {  	[sflag:s25] =	ssyncadd.s32 $0xFFFFC000;
	s6 =	simm.s32 @!p1 $0x2  }
0x60: {  	_ =	swait.ge @!p1 [sflag:s6], $0x80  }
0x61: {  	[sflag:s6] =	ssyncset.done @!p1 $0x0  }
0x62: {  	[sflag:s6] =	ssyncadd.s32 @!p1 $0xFFFFFF80  }
0x63: {  	_ =	swait.ge @!p1 [sflag:s6], $0x80  }
0x64: {  	[sflag:s6] =	ssyncset.done @!p1 $0x0  }
0x65: {  	s7 =	simm.s32 @!p1 $0x4200;
	[sflag:s6] =	ssyncadd.s32 @!p1 $0xFFFFFF80;
	s6 =	simm.s32 @!p1 $0x80  }
0x66: {  	[tilespmem:s7], [sflag:$0x1] =	stream.indirect.gather @!p1 [hbm4b:s4+s6], $0x80, s6, s6, $0xb8;
	[tilespmem:$0x1BE00] =	vst v63  }
0x67: {  	_ = 	snop  }
0x68: {  	[spmem:s2] =	stream.indirect.scatter.add.f32 [tilespmem:s23], [sflag:$0x3], $0x80, s21, s22, $0xb8;
	[tilespmem:$0x1BE00] =	vst v63  }
0x69: {  	s10 =	sadd.s32 $0xFFFFFFFF, s0;
	_ =	swait.ge [sflag:s26], $0x4000  }
0x6a: {  	p1 =	sge.u32 s10, s5;
	[sflag:s26] =	ssyncset.done $0x0  }
0x6b: {  	s6 =	simm.s32 @p1 $0x1;
	[sflag:s26] =	ssyncadd.s32 $0xFFFFC000  }
0x6c: {  	_ =	swait.ge @p1 [sflag:s6], $0x4000  }
0x6d: {  	s7 =	rddreg [dreg:$0x4]  }
0x6e: {  	s1 =	smov.u32 s31;
	[sflag:s6] =	ssyncset.done @p1 $0x0;
	s8 =	rddreg [dreg:$0x5]  }
0x6f: {  	[sflag:s6] =	ssyncadd.s32 @p1 $0xFFFFC000;
	s6 =	sadd.s32 @!p1 s1, s7;
	s7 =	simm.s32 @!p1 $0x0  }
0x70: {  	[tilespmem:s7], [sflag:$0x2] =	stream.linear.gather @!p1 [hbm4b:s6+s7], $0x80, $0x38;
	[tilespmem:$0x1BE00] =	vst v63  }
0x71: {  	s9 =	simm.s32 @!p1 $0x1;
	s6 =	sadd.s32 @!p1 s1, s8;
	s8 =	simm.s32 @!p1 $0x100  }
0x72: {  	[tilespmem:s8], [sflag:$0x2] =	stream.linear.gather @!p1 [hbm4b:s6+s7], $0x80, $0x38;
	[tilespmem:$0x1BE00] =	vst v63  }
0x73: {  	_ =	swait.ge @!p1 [sflag:s9], $0x4000  }
0x74: {  	[sflag:s9] =	ssyncset.done @!p1 $0x0  }
0x75: {  	s6 =	simm.s32 @!p1 $0x2;
	[sflag:s9] =	ssyncadd.s32 @!p1 $0xFFFFC000  }
0x76: {  	_ =	swait.ge @!p1 [sflag:s6], $0x80  }
0x77: {  	[sflag:s6] =	ssyncset.done @!p1 $0x0  }
0x78: {  	[sflag:s6] =	ssyncadd.s32 @!p1 $0xFFFFFF80  }
0x79: {  	_ =	swait.ge @!p1 [sflag:s6], $0x80  }
0x7a: {  	s31 =	sadd.s32 $0x20, s31;
	[sflag:s6] =	ssyncset.done @!p1 $0x0  }
0x7b: {  	s8 =	simm.s32 @!p1 $0x200;
	[sflag:s6] =	ssyncadd.s32 @!p1 $0xFFFFFF80;
	s6 =	simm.s32 @!p1 $0x80  }
0x7c: {  	[tilespmem:s8], [sflag:$0x1] =	stream.indirect.gather @!p1 [hbm4b:s4+s6], $0x80, s7, s6, $0xb8;
	[tilespmem:$0x1BE00] =	vst v63  }
0x7d: {  	p0 =	sne.s32 s16, s31  }
0x7e: {  	[spmem:s2] =	stream.indirect.scatter.add.f32 [tilespmem:s28], [sflag:$0x3], $0x80, s24, s22, $0xb8;
	[tilespmem:$0x1BE00] =	vst v63  }
.Ltmp1:
0x7f: {  	p1 =	sge.u32 s0, s5;
	_ =	swait.ge [sflag:s26], $0x4000;
	(pc) =	sbr.rel @p0 .LBB2_2-.Ltmp1, $4  }
0x80: {  	s10 =	simm.s32 @!p1 $0x80;
	s6 =	rddreg [dreg:$0x6];
	[sflag:s26] =	ssyncset.done $0x0  }
0x81: {  	s8 =	simm.s32 @!p1 $0x180;
	s7 =	rddreg [dreg:$0x7];
	[sflag:s26] =	ssyncadd.s32 $0xFFFFC000  }
0x82: {  	s9 =	sadd.s32 @!p1 s1, s6;
	s6 =	simm.s32 @!p1 $0x0;
	s7 =	sadd.s32 @!p1 s1, s7  }
0x83: {  	[tilespmem:s10], [sflag:$0x2] =	stream.linear.gather @!p1 [hbm4b:s9+s6], $0x80, $0x38;
	[tilespmem:$0x1BE00] =	vst v63  }
.LBB2_3:
0x84: {  	s0 =	sadd.s32 $0x2, s0  }
0x85: {  	[tilespmem:s8], [sflag:$0x2] =	stream.linear.gather @!p1 [hbm4b:s7+s6], $0x80, $0x38;
	[tilespmem:$0x1BE00] =	vst v63  }
0x86: {  	s1 =	sadd.s32 $0xFFFFFFFD, s0;
	_ =	swait.ge [sflag:s25], $0x4000  }
0x87: {  	[sflag:s25] =	ssyncset.done $0x0;
	p0 =	sge.u32 s1, s11  }
0x88: {  	[sflag:s25] =	ssyncadd.s32 $0xFFFFC000;
	s1 =	simm.s32 @!p0 $0x2  }
0x89: {  	_ =	swait.ge @!p0 [sflag:s1], $0x80  }
0x8a: {  	[sflag:s1] =	ssyncset.done @!p0 $0x0  }
0x8b: {  	[sflag:s1] =	ssyncadd.s32 @!p0 $0xFFFFFF80  }
0x8c: {  	_ =	swait.ge @!p0 [sflag:s1], $0x80  }
0x8d: {  	[sflag:s1] =	ssyncset.done @!p0 $0x0  }
0x8e: {  	s6 =	simm.s32 @!p0 $0x4200;
	[sflag:s1] =	ssyncadd.s32 @!p0 $0xFFFFFF80;
	s1 =	simm.s32 @!p0 $0x80  }
0x8f: {  	[tilespmem:s6], [sflag:$0x1] =	stream.indirect.gather @!p0 [hbm4b:s4+s1], $0x80, s1, s1, $0xb8;
	[tilespmem:$0x1BE00] =	vst v63  }
0x90: {  	_ = 	snop  }
0x91: {  	[spmem:s2] =	stream.indirect.scatter.add.f32 [tilespmem:s23], [sflag:$0x3], $0x80, s21, s22, $0xb8;
	[tilespmem:$0x1BE00] =	vst v63  }
0x92: {  	s10 =	sadd.s32 $0xFFFFFFFF, s0;
	_ =	swait.ge [sflag:s26], $0x4000  }
0x93: {  	p0 =	slt.u32 s10, s5;
	[sflag:s26] =	ssyncset.done $0x0  }
0x94: {  	s1 =	sadd.s32 @p0 s31, s20;
	s6 =	simm.s32 @p0 $0x0;
	[sflag:s26] =	ssyncadd.s32 $0xFFFFC000  }
0x95: {  	[tilespmem:s6], [sflag:$0x2] =	stream.linear.gather @p0 [hbm4b:s1+s6], $0x80, $0x38;
	[tilespmem:$0x1BE00] =	vst v63  }
0x96: {  	s7 =	simm.s32 @p0 $0x100;
	s1 =	sadd.s32 @p0 s31, s19  }
0x97: {  	[tilespmem:s7], [sflag:$0x2] =	stream.linear.gather @p0 [hbm4b:s1+s6], $0x80, $0x38;
	[tilespmem:$0x1BE00] =	vst v63  }
0x98: {  	s1 =	simm.s32 @p0 $0x1  }
0x99: {  	_ =	swait.ge @p0 [sflag:s1], $0x4000  }
0x9a: {  	[sflag:s1] =	ssyncset.done @p0 $0x0  }
0x9b: {  	[sflag:s1] =	ssyncadd.s32 @p0 $0xFFFFC000;
	s1 =	simm.s32 @p0 $0x2  }
0x9c: {  	_ =	swait.ge @p0 [sflag:s1], $0x80  }
0x9d: {  	[sflag:s1] =	ssyncset.done @p0 $0x0  }
0x9e: {  	[sflag:s1] =	ssyncadd.s32 @p0 $0xFFFFFF80  }
0x9f: {  	_ =	swait.ge @p0 [sflag:s1], $0x80  }
0xa0: {  	[sflag:s1] =	ssyncset.done @p0 $0x0  }
0xa1: {  	s7 =	simm.s32 @p0 $0x200;
	[sflag:s1] =	ssyncadd.s32 @p0 $0xFFFFFF80;
	s1 =	simm.s32 @p0 $0x80  }
0xa2: {  	[tilespmem:s7], [sflag:$0x1] =	stream.indirect.gather @p0 [hbm4b:s4+s1], $0x80, s6, s1, $0xb8;
	[tilespmem:$0x1BE00] =	vst v63  }
0xa3: {  	s1 =	simm.s32 @!p0 $0x1  }
0xa4: {  	_ =	swait.ge @!p0 [sflag:s1], $0x4000  }
0xa5: {  	[sflag:s1] =	ssyncset.done @!p0 $0x0  }
0xa6: {  	[sflag:s1] =	ssyncadd.s32 @!p0 $0xFFFFC000  }
0xa7: {  	[spmem:s2] =	stream.indirect.scatter.add.f32 [tilespmem:s28], [sflag:$0x3], $0x80, s24, s22, $0xb8;
	[tilespmem:$0x1BE00] =	vst v63  }
0xa8: {  	p0 =	sge.u32 s0, s5;
	_ =	swait.ge [sflag:s26], $0x4000  }
0xa9: {  	s0 =	sadd.s32 @!p0 s31, s18;
	[sflag:s26] =	ssyncset.done $0x0  }
0xaa: {  	s1 =	simm.s32 @!p0 $0x0;
	s6 =	simm.s32 @!p0 $0x80;
	[sflag:s26] =	ssyncadd.s32 $0xFFFFC000  }
0xab: {  	[tilespmem:s6], [sflag:$0x2] =	stream.linear.gather @!p0 [hbm4b:s0+s1], $0x80, $0x38;
	[tilespmem:$0x1BE00] =	vst v63  }
0xac: {  	s29 =	sadd.s32 $0x1, s29;
	s0 =	sadd.s32 @!p0 s31, s17;
	s6 =	simm.s32 @!p0 $0x180  }
0xad: {  	[tilespmem:s6], [sflag:$0x2] =	stream.linear.gather @!p0 [hbm4b:s0+s1], $0x80, $0x38;
	[tilespmem:$0x1BE00] =	vst v63  }
0xae: {  	p0 =	sne.s32 s29, s13  }
.Ltmp2:
0xaf: {  	[bflag:$0x0] =	sbarrier.arrive $0xFFFF;
	(pc) =	sbr.rel @p0 .LBB2_1-.Ltmp2, $4  }
0xb0: {  	[hbm:s12], [sflag:s15] =	dma.local [spmem:s30], $0x2780  }
0xb1: {  	_ =	swait.ge [sflag:s26], $0x2780  }
0xb2: {  	[sflag:s26] =	ssyncset.done $0x0  }
0xb3: {  	[sflag:s26] =	ssyncadd.s32 $0xFFFFD880  }
0xb4: {  	_ =	sfence.sel $0x180000  }
0xb5: {  	[bflag:$0x0] =	sbarrier.arrive $0xFFFF  }
0xb6: {  	_ =	strace $0x90000047  }
0xb7: {  	s0 =	stileid.u32;
	[bflag:$0x2] =	sbarrier.arrive $0xFFFF  }
0xb8: {  	p0 =	sne.s32 s0, $0x0;
	s0 =	rddreg [dreg:$0x3]  }
0xb9: {  	s0 =	sadd.s32 @!p0 $0x100000, s0  }
0xba: {  	[sflag:s0] =	ssyncadd.tile.s32 @!p0 $0x1;
	_ =	shalt  }
.Lfunc_end2:
_tile_overlayer_lowered:
.L_overlay_start_2:
0xbb: {  	(tag) =	ssettag $0x2  }
0xbc: {  	s0 =	rddreg [dreg:$0x0];
	s2 =	stileid.u32  }
0xbd: {  	s1 =	rddreg [dreg:$0x1];
	p0 =	sne.s32 s2, $0x0  }
0xbe: {  	s3 =	rddreg [dreg:$0x2];
	[bflag:$0x3] =	sbarrier.arrive $0xFFFF;
	s2 =	simm.s32 @!p0 $0x1C03  }
0xbf: {  	[timem:s3], [sflag:s2] =	dma.local @!p0 [hbm:s0], s1  }
0xc0: {  	s0 =	simm.s32 @!p0 $0x3  }
0xc1: {  	_ =	swait.ge @!p0 [sflag:s0], s1  }
0xc2: {  	s1 =	ssub.s32 @!p0 $0x0, s1;
	[sflag:s0] =	ssyncset.done @!p0 $0x0  }
0xc3: {  	[sflag:s0] =	ssyncadd.s32 @!p0 s1  }
0xc4: {  	[bflag:$0x3] =	sbarrier.arrive $0xFFFF  }
0xc5: {  	_ =	shalt  }

</sc_bundles>
